<compile_context>
chip_gen: v7x
topology: tpu7x:2x2x1
jax: 0.10.2.dev20260603
libtpu: 0.0.44.dev20260713+nightly
codegen_flags: <defaults>
</compile_context>

<pallas_src>
import functools

import jax
import jax.numpy as jnp
from jax import lax
from jax.experimental import pallas as pl
from jax.experimental.pallas import tpu as pltpu
from jax.experimental.pallas import tpu_sc as plsc

NN = 4096
DD = 768
KTOP = 5
RB = 256

NSC = 2
NTILE = 16
TROWS = NN // NTILE
RPC = 8
GW = RPC * (KTOP + 1)
GCH = TROWS // RPC
FC = 128
NF = 3


def _topk_body(a_ref, e_ref, ti_ref, v_ref, cp_ref, tbl_ref):
    blk = a_ref[...]
    cols = lax.broadcasted_iota(jnp.int32, blk.shape, 1)
    cur = blk
    vs, idxs = [], []
    for _ in range(KTOP):
        m = jnp.max(cur, axis=1, keepdims=True)
        idx = jnp.min(jnp.where(cur == m, cols, blk.shape[1]), axis=1,
                      keepdims=True)
        vs.append(m)
        idxs.append(idx)
        cur = jnp.where(cols == idx, -jnp.inf, cur)
    v5 = jnp.concatenate(vs, axis=1)
    i5 = jnp.concatenate(idxs, axis=1)
    t = v5[:, KTOP - 1:KTOP]
    c = jnp.max(jnp.where(v5 == t, i5, -1), axis=1, keepdims=True)
    ipad = jnp.zeros((blk.shape[0], 2), jnp.int32)
    fpad = jnp.zeros((blk.shape[0], 3), jnp.float32)
    ti_ref[...] = jnp.concatenate([i5, c, ipad], axis=1)
    v_ref[...] = jnp.concatenate([v5, fpad], axis=1)
    inrow = (blk > t) | ((blk == t) & (cols <= c))
    cp_ref[...] = jnp.sum(jnp.where(inrow, blk, 0.0), axis=0,
                          keepdims=True).reshape(1, 1, blk.shape[1])
    e = e_ref[...]
    tbl_ref[...] = e.reshape(e.shape[0], NSC * NF, FC).transpose(1, 0, 2)


def _run_topk(A, emb):
    return pl.pallas_call(
        _topk_body,
        grid=(NN // RB,),
        in_specs=[pl.BlockSpec((RB, NN), lambda i: (i, 0)),
                  pl.BlockSpec((RB, DD), lambda i: (i, 0))],
        out_specs=[pl.BlockSpec((RB, 8), lambda i: (i, 0)),
                   pl.BlockSpec((RB, 8), lambda i: (i, 0)),
                   pl.BlockSpec((1, 1, NN), lambda i: (i, 0, 0)),
                   pl.BlockSpec((NSC * NF, RB, FC), lambda i: (0, i, 0))],
        out_shape=[jax.ShapeDtypeStruct((NN, 8), jnp.int32),
                   jax.ShapeDtypeStruct((NN, 8), jnp.float32),
                   jax.ShapeDtypeStruct((NN // RB, 1, NN), jnp.float32),
                   jax.ShapeDtypeStruct((NSC * NF, NN, FC), jnp.float32)],
    )(A, emb)



TW = NN // (NSC * NTILE)


def _scw_body(ti_hbm, v_hbm, t_hbm, c_hbm, w_hbm,
              ti_v, v_v, t_v, c_v, w_v):
    cid = lax.axis_index("c")
    sid = lax.axis_index("s")
    wid = sid * NSC + cid
    row0 = wid * TW
    lanes = lax.iota(jnp.int32, 16)
    pltpu.sync_copy(ti_hbm.at[pl.ds(row0, TW)], ti_v)
    pltpu.sync_copy(v_hbm.at[pl.ds(row0, TW)], v_v)
    pltpu.sync_copy(t_hbm, t_v)
    pltpu.sync_copy(c_hbm, c_v)

    def build_w(ec, carry):
        e16 = ec * 16 + lanes
        r16 = e16 // KTOP
        k16 = e16 - r16 * KTOP
        j16 = plsc.load_gather(ti_v, [r16, k16])
        v16 = plsc.load_gather(v_v, [r16, k16])
        tj = plsc.load_gather(t_v, [j16])
        cj = plsc.load_gather(c_v, [j16])
        i16 = row0 + r16
        mut = (v16 > tj) | ((v16 == tj) & (i16 <= cj))
        w16 = v16 * jnp.where(mut, 0.5, 1.0)
        plsc.store_scatter(w_v, [r16, k16], w16)
        return carry

    lax.fori_loop(0, TW * KTOP // 16, build_w, 0)

    def zpad(ec, carry):
        r16 = ec * 16 + lanes
        z = jnp.zeros((16,), jnp.float32)
        for k in range(KTOP, 8):
            plsc.store_scatter(w_v, [r16, jnp.full((16,), k, jnp.int32)], z)
        return carry

    lax.fori_loop(0, TW // 16, zpad, 0)
    pltpu.sync_copy(w_v, w_hbm.at[pl.ds(row0, TW)])


def _run_scw(ti8, v8, tvec, cvec):
    mesh = plsc.VectorSubcoreMesh(core_axis_name="c", subcore_axis_name="s")
    f = functools.partial(
        pl.kernel,
        out_type=jax.ShapeDtypeStruct((NN, 8), jnp.float32),
        mesh=mesh,
        compiler_params=pltpu.CompilerParams(needs_layout_passes=False),
        scratch_types=[
            pltpu.VMEM((TW, 8), jnp.int32),
            pltpu.VMEM((TW, 8), jnp.float32),
            pltpu.VMEM((NN,), jnp.float32),
            pltpu.VMEM((NN,), jnp.int32),
            pltpu.VMEM((TW, 8), jnp.float32),
        ],
    )(_scw_body)
    return f(ti8, v8, tvec, cvec)


TW = NN // (NSC * NTILE)


def _scw_body(ti_hbm, v_hbm, t_hbm, c_hbm, w_hbm,
              ti_v, v_v, t_v, c_v, w_v):
    cid = lax.axis_index("c")
    sid = lax.axis_index("s")
    wid = sid * NSC + cid
    row0 = wid * TW
    lanes = lax.iota(jnp.int32, 16)
    pltpu.sync_copy(ti_hbm.at[pl.ds(row0, TW)], ti_v)
    pltpu.sync_copy(v_hbm.at[pl.ds(row0, TW)], v_v)
    pltpu.sync_copy(t_hbm, t_v)
    pltpu.sync_copy(c_hbm, c_v)

    def build_w(ec, carry):
        e16 = ec * 16 + lanes
        r16 = e16 // KTOP
        k16 = e16 - r16 * KTOP
        j16 = plsc.load_gather(ti_v, [r16, k16])
        v16 = plsc.load_gather(v_v, [r16, k16])
        tj = plsc.load_gather(t_v, [j16])
        cj = plsc.load_gather(c_v, [j16])
        i16 = row0 + r16
        mut = (v16 > tj) | ((v16 == tj) & (i16 <= cj))
        w16 = v16 * jnp.where(mut, 0.5, 1.0)
        plsc.store_scatter(w_v, [r16, k16], w16)
        return carry

    lax.fori_loop(0, TW * KTOP // 16, build_w, 0)

    def zpad(ec, carry):
        r16 = ec * 16 + lanes
        z = jnp.zeros((16,), jnp.float32)
        for k in range(KTOP, 8):
            plsc.store_scatter(w_v, [r16, jnp.full((16,), k, jnp.int32)], z)
        return carry

    lax.fori_loop(0, TW // 16, zpad, 0)
    pltpu.sync_copy(w_v, w_hbm.at[pl.ds(row0, TW)])


def _run_scw(ti8, v8, tvec, cvec):
    mesh = plsc.VectorSubcoreMesh(core_axis_name="c", subcore_axis_name="s")
    f = functools.partial(
        pl.kernel,
        out_type=jax.ShapeDtypeStruct((NN, 8), jnp.float32),
        mesh=mesh,
        compiler_params=pltpu.CompilerParams(needs_layout_passes=False),
        scratch_types=[
            pltpu.VMEM((TW, 8), jnp.int32),
            pltpu.VMEM((TW, 8), jnp.float32),
            pltpu.VMEM((NN,), jnp.float32),
            pltpu.VMEM((NN,), jnp.int32),
            pltpu.VMEM((TW, 8), jnp.float32),
        ],
    )(_scw_body)
    return f(ti8, v8, tvec, cvec)


def _table_body(e_ref, t_ref):
    e = e_ref[...]
    t_ref[...] = e.reshape(RB, NSC * NF, FC).transpose(1, 0, 2)


def _run_table(emb):
    return pl.pallas_call(
        _table_body,
        grid=(NN // RB,),
        in_specs=[pl.BlockSpec((RB, DD), lambda i: (i, 0))],
        out_specs=pl.BlockSpec((NSC * NF, RB, FC), lambda i: (0, i, 0)),
        out_shape=jax.ShapeDtypeStruct((NSC * NF, NN, FC), jnp.float32),
    )(emb)


def _sc_body(glist_hbm, dlist_hbm, w_hbm, table_hbm, z_hbm, out_hbm,
             glist_v, dlist_v, w_v,
             gbuf0, gbuf1, obuf0, obuf1, acc_sh,
             gsem0, gsem1, ssem0, ssem1):
    cid = lax.axis_index("c")
    sid = lax.axis_index("s")
    row0 = sid * TROWS
    lanes = lax.iota(jnp.int32, 16)
    gbufs = (gbuf0, gbuf1)
    obufs = (obuf0, obuf1)
    gsems = (gsem0, gsem1)
    ssems = (ssem0, ssem1)

    pltpu.sync_copy(dlist_hbm.at[sid], dlist_v)
    pltpu.sync_copy(w_hbm.at[pl.ds(row0, TROWS)], w_v)

    for f in range(NF):
        pltpu.sync_copy(glist_hbm.at[cid, f, sid], glist_v)
        pltpu.sync_copy(z_hbm, acc_sh.at[pl.ds(row0, TROWS)])
        plsc.subcore_barrier()

        pltpu.async_copy(table_hbm.at[glist_v.at[0]], gbuf0, gsem0)

        def process2(i2, carry):
            for par in range(2):
                ch = i2 * 2 + par
                gbuf = gbufs[par]
                obuf = obufs[par]
                pltpu.make_async_copy(table_hbm.at[glist_v.at[ch]], gbuf,
                                      gsems[par]).wait()

                @pl.when(ch + 1 < GCH)
                def _():
                    pltpu.async_copy(table_hbm.at[glist_v.at[ch + 1]],
                                     gbufs[1 - par], gsems[1 - par])

                @pl.when(ch >= 2)
                def _():
                    pltpu.make_async_copy(obuf, acc_sh.at[dlist_v.at[ch - 2]],
                                          ssems[par]).wait()

                def rowgrp(r, carry2):
                    b = r * (KTOP + 1)
                    rloc = ch * RPC + r
                    rsp = jnp.full((16,), rloc, jnp.int32)
                    ws = [plsc.load_gather(
                        w_v, [rsp, jnp.full((16,), k, jnp.int32)])
                        for k in range(KTOP)]

                    @functools.partial(plsc.parallel_loop, 0, FC // 16,
                                       unroll=4)
                    def colq(q):
                        c16 = q * 16 + lanes
                        b16 = jnp.full((16,), b, jnp.int32)
                        g0 = plsc.load_gather(gbuf, [b16, c16])
                        acc = g0
                        for k in range(KTOP):
                            bk = jnp.full((16,), b + 1 + k, jnp.int32)
                            gk = plsc.load_gather(gbuf, [bk, c16])
                            acc = acc + ws[k] * gk
                            plsc.store_scatter(obuf, [bk, c16], ws[k] * g0)
                        plsc.store_scatter(obuf, [b16, c16], acc)

                    return carry2

                lax.fori_loop(0, RPC, rowgrp, 0)
                pltpu.async_copy(obuf, acc_sh.at[dlist_v.at[ch]], ssems[par],
                                 add=True)
            return carry

        lax.fori_loop(0, GCH // 2, process2, 0)
        for par in range(2):
            pltpu.make_async_copy(obufs[par],
                                  acc_sh.at[dlist_v.at[GCH - 2 + par]],
                                  ssems[par]).wait()
        plsc.subcore_barrier()
        pltpu.sync_copy(acc_sh.at[pl.ds(row0, TROWS)],
                        out_hbm.at[cid * NF + f, pl.ds(row0, TROWS)])
        plsc.subcore_barrier()


def _run_sc(glist, dlist, w8, table, zrows):
    mesh = plsc.VectorSubcoreMesh(core_axis_name="c", subcore_axis_name="s")
    f = functools.partial(
        pl.kernel,
        out_type=jax.ShapeDtypeStruct((NSC * NF, NN, FC), jnp.float32),
        mesh=mesh,
        compiler_params=pltpu.CompilerParams(needs_layout_passes=False),
        scratch_types=[
            pltpu.VMEM((GCH, GW), jnp.int32),
            pltpu.VMEM((GCH, GW), jnp.int32),
            pltpu.VMEM((TROWS, 8), jnp.float32),
            pltpu.VMEM((GW, FC), jnp.float32),
            pltpu.VMEM((GW, FC), jnp.float32),
            pltpu.VMEM((GW, FC), jnp.float32),
            pltpu.VMEM((GW, FC), jnp.float32),
            pltpu.VMEM_SHARED((NN, FC), jnp.float32),
            pltpu.SemaphoreType.DMA,
            pltpu.SemaphoreType.DMA,
            pltpu.SemaphoreType.DMA,
            pltpu.SemaphoreType.DMA,
        ],
    )(_sc_body)
    return f(glist, dlist, w8, table, zrows)


def _gelu_exact(x):
    return 0.5 * x * (1.0 + lax.erf(x * 0.7071067811865476))


def _tail_body(y6_ref, w_ref, v_ref, cp_ref, emb_ref, wg_ref, bg_ref,
               w1_ref, b1_ref, w2_ref, b2_ref, wh_ref, bh_ref, out_ref):
    def matT(x, w_ref2):
        return lax.dot_general(x, w_ref2[...], (((1,), (1,)), ((), ())),
                               preferred_element_type=jnp.float32,
                               precision=jax.lax.Precision.HIGHEST)
    w8 = w_ref[...]
    v8 = v_ref[...]
    sumw = jnp.sum(w8[:, :KTOP], axis=1, keepdims=True)
    sumv = jnp.sum(v8[:, :KTOP], axis=1, keepdims=True)
    revs = jnp.sum(cp_ref[...], axis=1, keepdims=True)
    s = jnp.maximum(1.0 + revs + 2.0 * sumw - sumv, 1e-8)
    y6 = y6_ref[...]
    y = jnp.concatenate([y6[q] for q in range(NSC * NF)], axis=1) / s
    emb = emb_ref[...]
    h = _gelu_exact(matT(y, wg_ref) + bg_ref[...]) + emb
    h1 = _gelu_exact(matT(h, w1_ref) + b1_ref[...])
    h2 = _gelu_exact(matT(h1, w2_ref) + b2_ref[...])
    r = matT(h2, wh_ref) + bh_ref[...]
    sp = jax.nn.softplus(r)
    col = lax.broadcasted_iota(jnp.int32, r.shape, 1)
    out8 = jnp.where(col == 0, r,
                     jnp.where(col == 2, jnp.minimum(sp, 28.0) + 1.01,
                               sp + 1e-6))
    out_ref[...] = out8[:, :4]


def _run_tail(out6, w8, v8, cpt, emb, Wg, bg2, W1, b12, W2, b22, Whp, bh2):
    whole = lambda shape: pl.BlockSpec(shape, lambda i: tuple(0 for _ in shape))
    return pl.pallas_call(
        _tail_body,
        grid=(NN // RB,),
        in_specs=[
            pl.BlockSpec((NSC * NF, RB, FC), lambda i: (0, i, 0)),
            pl.BlockSpec((RB, 8), lambda i: (i, 0)),
            pl.BlockSpec((RB, 8), lambda i: (i, 0)),
            pl.BlockSpec((RB, NN // RB), lambda i: (i, 0)),
            pl.BlockSpec((RB, DD), lambda i: (i, 0)),
            whole((DD, DD)), whole((1, DD)),
            whole((512, DD)), whole((1, 512)),
            whole((256, 512)), whole((1, 256)),
            whole((8, 256)), whole((1, 8)),
        ],
        out_specs=pl.BlockSpec((RB, 4), lambda i: (i, 0)),
        out_shape=jax.ShapeDtypeStruct((NN, 4), jnp.float32),
    )(out6, w8, v8, cpt, emb, Wg, bg2, W1, b12, W2, b22, Whp, bh2)


def kernel(emb, A, W_gcn, b_gcn, W1, b1, W2, b2, Wh, bh):
    ti8, v8, colpart, table6 = _run_topk(A, emb)
    tvec = v8[:, KTOP - 1]
    cvec = ti8[:, KTOP]
    w8 = _run_scw(ti8, v8, tvec, cvec)
    cpt = colpart.reshape(NN // RB, NN).T
    table = table6.reshape(NSC * NF * NN, FC)

    rows = jnp.arange(NN, dtype=jnp.int32)[:, None]
    ti5 = ti8[:, :KTOP]
    base6 = jnp.concatenate([rows, ti5], axis=1).reshape(-1)
    dlist = base6.reshape(NTILE, GCH, GW)
    qoff = (jnp.arange(NSC * NF, dtype=jnp.int32) * NN).reshape(
        NSC, NF, 1, 1, 1)
    glist = base6.reshape(1, 1, NTILE, GCH, GW) + qoff
    zrows = jnp.zeros((TROWS, FC), jnp.float32)

    out6 = _run_sc(glist, dlist, w8, table, zrows)

    Whp = jnp.pad(Wh, ((0, 4), (0, 0)))
    bh2 = jnp.pad(bh, (0, 4)).reshape(1, 8)
    return _run_tail(out6, w8, v8, cpt, emb, W_gcn, b_gcn.reshape(1, DD),
                     W1, b1.reshape(1, 512), W2, b2.reshape(1, 256), Whp,
                     bh2)

# --- scband reference (transcript-rebuilt; emitter-appended) ---
"""Pipeline reference for scband-meta-static-gnn-31825707664062 (READ-ONLY COPY).

The authoritative reference and input builder live on the scoring server;
editing this copy changes nothing except your own understanding.
"""

import jax, jax.numpy as jnp
import numpy as np

N = 4096
D = 768
K = 5

def _gelu(x):
    return jax.nn.gelu(x, approximate=False)

def setup_inputs(seed: int = 0) -> dict:
    key = jax.random.key(seed)
    ks = jax.random.split(key, 12)
    emb = jax.random.normal(ks[0], (N, D), dtype=jnp.float32)
    A_raw = jax.random.uniform(ks[1], (N, N), dtype=jnp.float32)
    A = 0.5 * (A_raw + A_raw.T)
    A = A * (1.0 - jnp.eye(N, dtype=jnp.float32))  # zero diagonal like Tanimoto self-sim excluded
    W_gcn = jax.random.normal(ks[2], (D, D), dtype=jnp.float32) * 0.02
    b_gcn = jnp.zeros((D,), dtype=jnp.float32)
    W1 = jax.random.normal(ks[3], (512, D), dtype=jnp.float32) * 0.02
    b1 = jnp.zeros((512,), dtype=jnp.float32)
    W2 = jax.random.normal(ks[4], (256, 512), dtype=jnp.float32) * 0.02
    b2 = jnp.zeros((256,), dtype=jnp.float32)
    Wh = jax.random.normal(ks[5], (4, 256), dtype=jnp.float32) * 0.02
    bh = jnp.zeros((4,), dtype=jnp.float32)
    return {"emb": emb, "A": A, "W_gcn": W_gcn, "b_gcn": b_gcn,
            "W1": W1, "b1": b1, "W2": W2, "b2": b2, "Wh": Wh, "bh": bh}

def reference(emb, A, W_gcn, b_gcn, W1, b1, W2, b2, Wh, bh):
    n = A.shape[0]
    k = min(K, n - 1)
    # _adj: topk sparsification of fixed similarity graph
    _, ti = jax.lax.top_k(A, k)
    M = jnp.zeros_like(A).at[jnp.arange(n)[:, None], ti].set(1.0)
    M = ((M + M.T) > 0).astype(A.dtype)
    Am = A * M
    Am = Am * (1.0 - jnp.eye(n, dtype=A.dtype))  # fill_diagonal_(0.0)
    Ai = Am + jnp.eye(n, dtype=A.dtype)
    Ai = Ai / jnp.maximum(Ai.sum(-1, keepdims=True), 1e-08)
    # _gnn: act(gcn(A @ emb)) + emb
    H = _gelu((Ai @ emb) @ W_gcn.T + b_gcn) + emb
    # NIGHead (dropout inactive at eval)
    h1 = _gelu(H @ W1.T + b1)
    h2 = _gelu(h1 @ W2.T + b2)
    r = h2 @ Wh.T + bh
    mu = r[:, 0]
    v = jax.nn.softplus(r[:, 1]) + 1e-06
    a = jnp.minimum(jax.nn.softplus(r[:, 2]), 28.0) + 1.01
    b = jax.nn.softplus(r[:, 3]) + 1e-06
    return jnp.stack([mu, v, a, b], axis=-1)

if __name__ == "__main__":
    import jax
    _d = setup_inputs()
    print(jax.jit(kernel)(*tuple(_d.values())))

</pallas_src>

<mosaic_0001>
#map = affine_map<(d0, d1) -> (0, 0, 0, 0, 0)>
#map1 = affine_map<(d0, d1) -> (0, 0, 0)>
#map2 = affine_map<(d0, d1) -> (0, 0)>
module attributes {stable_mosaic.version = 14 : i64} {
  func.func @_sc_body(%arg0: i32, %arg1: i32, %arg2: memref<2x3x16x32x48xi32, #tpu.memory_space<hbm>>, %arg3: memref<16x32x48xi32, #tpu.memory_space<hbm>>, %arg4: memref<4096x8xf32, #tpu.memory_space<hbm>>, %arg5: memref<24576x128xf32, #tpu.memory_space<hbm>>, %arg6: memref<256x128xf32, #tpu.memory_space<hbm>>, %arg7: memref<6x4096x128xf32, #tpu.memory_space<hbm>>, %arg8: memref<32x48xi32, #tpu.memory_space<vmem>>, %arg9: memref<32x48xi32, #tpu.memory_space<vmem>>, %arg10: memref<256x8xf32, #tpu.memory_space<vmem>>, %arg11: memref<48x128xf32, #tpu.memory_space<vmem>>, %arg12: memref<48x128xf32, #tpu.memory_space<vmem>>, %arg13: memref<48x128xf32, #tpu.memory_space<vmem>>, %arg14: memref<48x128xf32, #tpu.memory_space<vmem>>, %arg15: memref<4096x128xf32, #tpu.memory_space<vmem_shared>>, %arg16: memref<!tpu.dma_semaphore, #tpu.memory_space<semaphore_mem>>, %arg17: memref<!tpu.dma_semaphore, #tpu.memory_space<semaphore_mem>>, %arg18: memref<!tpu.dma_semaphore, #tpu.memory_space<semaphore_mem>>, %arg19: memref<!tpu.dma_semaphore, #tpu.memory_space<semaphore_mem>>) attributes {dimension_semantics = [#tpu.dimension_semantics<core_parallel>, #tpu.dimension_semantics<subcore_parallel>], iteration_bounds = array<i64: 2, 16>, scalar_prefetch = 0 : i64, scratch_operands = 12 : i64, tpu.core_type = #tpu.core_type<sc_vector_subcore>, window_params = [{transform_indices = #map}, {transform_indices = #map1}, {transform_indices = #map2}, {transform_indices = #map2}, {transform_indices = #map2}, {transform_indices = #map1}]} {
    %mul3A = arith.constant 256 : i32
    %mul3A_0 = arith.muli %arg1, %mul3A : i32
    %iota3A = tpu.iota {dimensions = array<i32: 0>} : vector<16xi32>
    "tpu.region"() ({
      %run_scoped3A_100 = tpu.sem_alloc : memref<!tpu.dma_semaphore, #tpu.memory_space<semaphore_mem>>
      %dma_start3A_101 = arith.constant 0 : i32
      %dma_start3A_102 = arith.constant 0 : i32
      %dma_start3A_103 = tpu.memref_slice %arg3[%arg1, %dma_start3A_101, %dma_start3A_102] : memref<16x32x48xi32, #tpu.memory_space<hbm>> -> memref<1x32x48xi32, #tpu.memory_space<hbm>>
      %dma_start3A_104 = tpu.memref_squeeze %dma_start3A_103 : memref<1x32x48xi32, #tpu.memory_space<hbm>> -> memref<32x48xi32, #tpu.memory_space<hbm>>
      %dma_start3A_105 = arith.constant 0 : i32
      %dma_start3A_106 = arith.constant 0 : i32
      %dma_start3A_107 = tpu.memref_slice %arg3[%arg1, %dma_start3A_105, %dma_start3A_106] : memref<16x32x48xi32, #tpu.memory_space<hbm>> -> memref<1x32x48xi32, #tpu.memory_space<hbm>>
      %dma_start3A_108 = tpu.memref_squeeze %dma_start3A_107 : memref<1x32x48xi32, #tpu.memory_space<hbm>> -> memref<32x48xi32, #tpu.memory_space<hbm>>
      tpu.enqueue_dma source(%dma_start3A_108 : memref<32x48xi32, #tpu.memory_space<hbm>>) target(%arg9 : memref<32x48xi32, #tpu.memory_space<vmem>>) target_semaphore(%run_scoped3A_100 : memref<!tpu.dma_semaphore, #tpu.memory_space<semaphore_mem>>)
      %dma_wait3A_109 = arith.constant 0 : i32
      %dma_wait3A_110 = arith.constant 0 : i32
      %dma_wait3A_111 = tpu.memref_slice %arg3[%arg1, %dma_wait3A_109, %dma_wait3A_110] : memref<16x32x48xi32, #tpu.memory_space<hbm>> -> memref<1x32x48xi32, #tpu.memory_space<hbm>>
      %dma_wait3A_112 = tpu.memref_squeeze %dma_wait3A_111 : memref<1x32x48xi32, #tpu.memory_space<hbm>> -> memref<32x48xi32, #tpu.memory_space<hbm>>
      %dma_wait3A_113 = arith.constant 0 : i32
      %dma_wait3A_114 = arith.constant 0 : i32
      %dma_wait3A_115 = tpu.memref_slice %arg3[%arg1, %dma_wait3A_113, %dma_wait3A_114] : memref<16x32x48xi32, #tpu.memory_space<hbm>> -> memref<1x32x48xi32, #tpu.memory_space<hbm>>
      %dma_wait3A_116 = tpu.memref_squeeze %dma_wait3A_115 : memref<1x32x48xi32, #tpu.memory_space<hbm>> -> memref<32x48xi32, #tpu.memory_space<hbm>>
      tpu.wait_dma2 semaphore(%run_scoped3A_100 : memref<!tpu.dma_semaphore, #tpu.memory_space<semaphore_mem>>) src(%dma_wait3A_116 : memref<32x48xi32, #tpu.memory_space<hbm>>) dst(%arg9 : memref<32x48xi32, #tpu.memory_space<vmem>>)
      tpu.yield
    }) : () -> ()
    "tpu.region"() ({
      %run_scoped3A_100 = tpu.sem_alloc : memref<!tpu.dma_semaphore, #tpu.memory_space<semaphore_mem>>
      %dma_start3A_101 = arith.constant 0 : i32
      %dma_start3A_102 = tpu.memref_slice %arg4[%mul3A_0, %dma_start3A_101] : memref<4096x8xf32, #tpu.memory_space<hbm>> -> memref<256x8xf32, #tpu.memory_space<hbm>>
      %dma_start3A_103 = arith.constant 0 : i32
      %dma_start3A_104 = tpu.memref_slice %arg4[%mul3A_0, %dma_start3A_103] : memref<4096x8xf32, #tpu.memory_space<hbm>> -> memref<256x8xf32, #tpu.memory_space<hbm>>
      tpu.enqueue_dma source(%dma_start3A_104 : memref<256x8xf32, #tpu.memory_space<hbm>>) target(%arg10 : memref<256x8xf32, #tpu.memory_space<vmem>>) target_semaphore(%run_scoped3A_100 : memref<!tpu.dma_semaphore, #tpu.memory_space<semaphore_mem>>)
      %dma_wait3A_105 = arith.constant 0 : i32
      %dma_wait3A_106 = tpu.memref_slice %arg4[%mul3A_0, %dma_wait3A_105] : memref<4096x8xf32, #tpu.memory_space<hbm>> -> memref<256x8xf32, #tpu.memory_space<hbm>>
      %dma_wait3A_107 = arith.constant 0 : i32
      %dma_wait3A_108 = tpu.memref_slice %arg4[%mul3A_0, %dma_wait3A_107] : memref<4096x8xf32, #tpu.memory_space<hbm>> -> memref<256x8xf32, #tpu.memory_space<hbm>>
      tpu.wait_dma2 semaphore(%run_scoped3A_100 : memref<!tpu.dma_semaphore, #tpu.memory_space<semaphore_mem>>) src(%dma_wait3A_108 : memref<256x8xf32, #tpu.memory_space<hbm>>) dst(%arg10 : memref<256x8xf32, #tpu.memory_space<vmem>>)
      tpu.yield
    }) : () -> ()
    %run_scoped3A = arith.constant 0 : i32
    "tpu.region"() ({
      %run_scoped3A_100 = tpu.sem_alloc : memref<!tpu.dma_semaphore, #tpu.memory_space<semaphore_mem>>
      %dma_start3A_101 = arith.constant 0 : i32
      %dma_start3A_102 = arith.constant 0 : i32
      %dma_start3A_103 = tpu.memref_slice %arg2[%arg0, %run_scoped3A, %arg1, %dma_start3A_101, %dma_start3A_102] : memref<2x3x16x32x48xi32, #tpu.memory_space<hbm>> -> memref<1x1x1x32x48xi32, #tpu.memory_space<hbm>>
      %dma_start3A_104 = tpu.memref_squeeze %dma_start3A_103 : memref<1x1x1x32x48xi32, #tpu.memory_space<hbm>> -> memref<32x48xi32, #tpu.memory_space<hbm>>
      %dma_start3A_105 = arith.constant 0 : i32
      %dma_start3A_106 = arith.constant 0 : i32
      %dma_start3A_107 = tpu.memref_slice %arg2[%arg0, %run_scoped3A, %arg1, %dma_start3A_105, %dma_start3A_106] : memref<2x3x16x32x48xi32, #tpu.memory_space<hbm>> -> memref<1x1x1x32x48xi32, #tpu.memory_space<hbm>>
      %dma_start3A_108 = tpu.memref_squeeze %dma_start3A_107 : memref<1x1x1x32x48xi32, #tpu.memory_space<hbm>> -> memref<32x48xi32, #tpu.memory_space<hbm>>
      tpu.enqueue_dma source(%dma_start3A_108 : memref<32x48xi32, #tpu.memory_space<hbm>>) target(%arg8 : memref<32x48xi32, #tpu.memory_space<vmem>>) target_semaphore(%run_scoped3A_100 : memref<!tpu.dma_semaphore, #tpu.memory_space<semaphore_mem>>)
      %dma_wait3A_109 = arith.constant 0 : i32
      %dma_wait3A_110 = arith.constant 0 : i32
      %dma_wait3A_111 = tpu.memref_slice %arg2[%arg0, %run_scoped3A, %arg1, %dma_wait3A_109, %dma_wait3A_110] : memref<2x3x16x32x48xi32, #tpu.memory_space<hbm>> -> memref<1x1x1x32x48xi32, #tpu.memory_space<hbm>>
      %dma_wait3A_112 = tpu.memref_squeeze %dma_wait3A_111 : memref<1x1x1x32x48xi32, #tpu.memory_space<hbm>> -> memref<32x48xi32, #tpu.memory_space<hbm>>
      %dma_wait3A_113 = arith.constant 0 : i32
      %dma_wait3A_114 = arith.constant 0 : i32
      %dma_wait3A_115 = tpu.memref_slice %arg2[%arg0, %run_scoped3A, %arg1, %dma_wait3A_113, %dma_wait3A_114] : memref<2x3x16x32x48xi32, #tpu.memory_space<hbm>> -> memref<1x1x1x32x48xi32, #tpu.memory_space<hbm>>
      %dma_wait3A_116 = tpu.memref_squeeze %dma_wait3A_115 : memref<1x1x1x32x48xi32, #tpu.memory_space<hbm>> -> memref<32x48xi32, #tpu.memory_space<hbm>>
      tpu.wait_dma2 semaphore(%run_scoped3A_100 : memref<!tpu.dma_semaphore, #tpu.memory_space<semaphore_mem>>) src(%dma_wait3A_116 : memref<32x48xi32, #tpu.memory_space<hbm>>) dst(%arg8 : memref<32x48xi32, #tpu.memory_space<vmem>>)
      tpu.yield
    }) : () -> ()
    "tpu.region"() ({
      %run_scoped3A_100 = tpu.sem_alloc : memref<!tpu.dma_semaphore, #tpu.memory_space<semaphore_mem>>
      %dma_start3A_101 = arith.constant 0 : i32
      %dma_start3A_102 = tpu.memref_slice %arg15[%mul3A_0, %dma_start3A_101] : memref<4096x128xf32, #tpu.memory_space<vmem_shared>> -> memref<256x128xf32, #tpu.memory_space<vmem_shared>>
      tpu.enqueue_dma source(%arg6 : memref<256x128xf32, #tpu.memory_space<hbm>>) target(%dma_start3A_102 : memref<256x128xf32, #tpu.memory_space<vmem_shared>>) target_semaphore(%run_scoped3A_100 : memref<!tpu.dma_semaphore, #tpu.memory_space<semaphore_mem>>)
      %dma_wait3A_103 = arith.constant 0 : i32
      %dma_wait3A_104 = tpu.memref_slice %arg15[%mul3A_0, %dma_wait3A_103] : memref<4096x128xf32, #tpu.memory_space<vmem_shared>> -> memref<256x128xf32, #tpu.memory_space<vmem_shared>>
      tpu.wait_dma2 semaphore(%run_scoped3A_100 : memref<!tpu.dma_semaphore, #tpu.memory_space<semaphore_mem>>) src(%arg6 : memref<256x128xf32, #tpu.memory_space<hbm>>) dst(%dma_wait3A_104 : memref<256x128xf32, #tpu.memory_space<vmem_shared>>)
      tpu.yield
    }) : () -> ()
    %barrier3A = arith.constant 0 : index
    tpu.barrier barrier_id(%barrier3A)
    %dma_start3A = arith.constant 0 : i32
    %dma_start3A_1 = arith.constant 0 : i32
    %dma_start3A_2 = tpu.memref_slice %arg8[%dma_start3A, %dma_start3A_1] : memref<32x48xi32, #tpu.memory_space<vmem>> -> memref<1x48xi32, #tpu.memory_space<vmem>>
    %dma_start3A_3 = tpu.memref_squeeze %dma_start3A_2 : memref<1x48xi32, #tpu.memory_space<vmem>> -> memref<48xi32, #tpu.memory_space<vmem>>
    %dma_start3A_4 = arith.constant 0 : i32
    %dma_start3A_5 = arith.constant 0 : i32
    %dma_start3A_6 = tpu.memref_slice %arg5[%dma_start3A_4, %dma_start3A_5] : memref<24576x128xf32, #tpu.memory_space<hbm>> -> memref<24576x128xf32, #tpu.memory_space<hbm>>
    tpu.enqueue_indirect_dma source(%dma_start3A_6 : memref<24576x128xf32, #tpu.memory_space<hbm>>) target(%arg11 : memref<48x128xf32, #tpu.memory_space<vmem>>) offsets(%dma_start3A_3 : memref<48xi32, #tpu.memory_space<vmem>>) semaphore(%arg16 : memref<!tpu.dma_semaphore, #tpu.memory_space<semaphore_mem>>)
    %scan3A = arith.constant 0 : i32
    %scan3A_7 = arith.constant 0 : i32
    %scan3A_8 = arith.constant 16 : i32
    %scan3A_9 = arith.addi %scan3A_7, %scan3A_8 : i32
    %scan3A_10 = arith.constant 1 : i32
    scf.for %scan3A_100 = %scan3A_7 to %scan3A_9 step %scan3A_10  : i32 {
      %mul3A_101 = arith.constant 2 : i32
      %mul3A_102 = arith.muli %scan3A_100, %mul3A_101 : i32
      %add3A_103 = arith.constant 0 : i32
      %add3A_104 = arith.addi %mul3A_102, %add3A_103 : i32
      %dma_wait3A_105 = arith.constant 0 : i32
      %dma_wait3A_106 = tpu.memref_slice %arg8[%add3A_104, %dma_wait3A_105] : memref<32x48xi32, #tpu.memory_space<vmem>> -> memref<1x48xi32, #tpu.memory_space<vmem>>
      %dma_wait3A_107 = tpu.memref_squeeze %dma_wait3A_106 : memref<1x48xi32, #tpu.memory_space<vmem>> -> memref<48xi32, #tpu.memory_space<vmem>>
      %dma_wait3A_108 = arith.constant 0 : i32
      %dma_wait3A_109 = arith.constant 0 : i32
      %dma_wait3A_110 = tpu.memref_slice %arg5[%dma_wait3A_108, %dma_wait3A_109] : memref<24576x128xf32, #tpu.memory_space<hbm>> -> memref<24576x128xf32, #tpu.memory_space<hbm>>
      tpu.wait_indirect_dma semaphore(%arg16 : memref<!tpu.dma_semaphore, #tpu.memory_space<semaphore_mem>>) src(%dma_wait3A_110 : memref<24576x128xf32, #tpu.memory_space<hbm>>) dst(%arg11 : memref<48x128xf32, #tpu.memory_space<vmem>>)
      %add3A_111 = arith.constant 1 : i32
      %add3A_112 = arith.addi %add3A_104, %add3A_111 : i32
      %lt3A = arith.constant 32 : i32
      %lt3A_113 = arith.cmpi slt, %add3A_112, %lt3A : i32
      %convert_element_type3A = arith.extui %lt3A_113 : i1 to i32
      %cond3A = arith.constant 0 : i32
      %cond3A_114 = arith.cmpi ne, %convert_element_type3A, %cond3A : i32
      scf.if %cond3A_114 {
        %add3A_165 = arith.constant 1 : i32
        %add3A_166 = arith.addi %add3A_104, %add3A_165 : i32
        %dma_start3A_167 = arith.constant 0 : i32
        %dma_start3A_168 = tpu.memref_slice %arg8[%add3A_166, %dma_start3A_167] : memref<32x48xi32, #tpu.memory_space<vmem>> -> memref<1x48xi32, #tpu.memory_space<vmem>>
        %dma_start3A_169 = tpu.memref_squeeze %dma_start3A_168 : memref<1x48xi32, #tpu.memory_space<vmem>> -> memref<48xi32, #tpu.memory_space<vmem>>
        %dma_start3A_170 = arith.constant 0 : i32
        %dma_start3A_171 = arith.constant 0 : i32
        %dma_start3A_172 = tpu.memref_slice %arg5[%dma_start3A_170, %dma_start3A_171] : memref<24576x128xf32, #tpu.memory_space<hbm>> -> memref<24576x128xf32, #tpu.memory_space<hbm>>
        tpu.enqueue_indirect_dma source(%dma_start3A_172 : memref<24576x128xf32, #tpu.memory_space<hbm>>) target(%arg12 : memref<48x128xf32, #tpu.memory_space<vmem>>) offsets(%dma_start3A_169 : memref<48xi32, #tpu.memory_space<vmem>>) semaphore(%arg17 : memref<!tpu.dma_semaphore, #tpu.memory_space<semaphore_mem>>)
      } else {
      }
      %ge3A = arith.constant 2 : i32
      %ge3A_115 = arith.cmpi sge, %add3A_104, %ge3A : i32
      %convert_element_type3A_116 = arith.extui %ge3A_115 : i1 to i32
      %cond3A_117 = arith.constant 0 : i32
      %cond3A_118 = arith.cmpi ne, %convert_element_type3A_116, %cond3A_117 : i32
      scf.if %cond3A_118 {
        %sub3A = arith.constant 2 : i32
        %sub3A_165 = arith.subi %add3A_104, %sub3A : i32
        %dma_wait3A_166 = arith.constant 0 : i32
        %dma_wait3A_167 = tpu.memref_slice %arg9[%sub3A_165, %dma_wait3A_166] : memref<32x48xi32, #tpu.memory_space<vmem>> -> memref<1x48xi32, #tpu.memory_space<vmem>>
        %dma_wait3A_168 = tpu.memref_squeeze %dma_wait3A_167 : memref<1x48xi32, #tpu.memory_space<vmem>> -> memref<48xi32, #tpu.memory_space<vmem>>
        %dma_wait3A_169 = arith.constant 0 : i32
        %dma_wait3A_170 = arith.constant 0 : i32
        %dma_wait3A_171 = tpu.memref_slice %arg15[%dma_wait3A_169, %dma_wait3A_170] : memref<4096x128xf32, #tpu.memory_space<vmem_shared>> -> memref<4096x128xf32, #tpu.memory_space<vmem_shared>>
        tpu.wait_indirect_dma semaphore(%arg18 : memref<!tpu.dma_semaphore, #tpu.memory_space<semaphore_mem>>) src(%arg13 : memref<48x128xf32, #tpu.memory_space<vmem>>) dst(%dma_wait3A_171 : memref<4096x128xf32, #tpu.memory_space<vmem_shared>>)
      } else {
      }
      %scan3A_119 = arith.constant 0 : i32
      %scan3A_120 = arith.constant 0 : i32
      %scan3A_121 = arith.constant 8 : i32
      %scan3A_122 = arith.addi %scan3A_120, %scan3A_121 : i32
      %scan3A_123 = arith.constant 1 : i32
      scf.for %scan3A_165 = %scan3A_120 to %scan3A_122 step %scan3A_123  : i32 {
        %mul3A_166 = arith.constant 6 : i32
        %mul3A_167 = arith.muli %scan3A_165, %mul3A_166 : i32
        %mul3A_168 = arith.constant 8 : i32
        %mul3A_169 = arith.muli %add3A_104, %mul3A_168 : i32
        %add3A_170 = arith.addi %mul3A_169, %scan3A_165 : i32
        %broadcast_in_dim3A = vector.broadcast %add3A_170 : i32 to vector<16xi32>
        %broadcast_in_dim3A_171 = arith.constant 0 : i32
        %broadcast_in_dim3A_172 = vector.broadcast %broadcast_in_dim3A_171 : i32 to vector<16xi32>
        %gather3A = tpu.vector_load_idx %arg10[%broadcast_in_dim3A, %broadcast_in_dim3A_172] : memref<256x8xf32, #tpu.memory_space<vmem>>[vector<16xi32>, vector<16xi32>], vector<16xf32>,
        %broadcast_in_dim3A_173 = arith.constant 1 : i32
        %broadcast_in_dim3A_174 = vector.broadcast %broadcast_in_dim3A_173 : i32 to vector<16xi32>
        %gather3A_175 = tpu.vector_load_idx %arg10[%broadcast_in_dim3A, %broadcast_in_dim3A_174] : memref<256x8xf32, #tpu.memory_space<vmem>>[vector<16xi32>, vector<16xi32>], vector<16xf32>,
        %broadcast_in_dim3A_176 = arith.constant 2 : i32
        %broadcast_in_dim3A_177 = vector.broadcast %broadcast_in_dim3A_176 : i32 to vector<16xi32>
        %gather3A_178 = tpu.vector_load_idx %arg10[%broadcast_in_dim3A, %broadcast_in_dim3A_177] : memref<256x8xf32, #tpu.memory_space<vmem>>[vector<16xi32>, vector<16xi32>], vector<16xf32>,
        %broadcast_in_dim3A_179 = arith.constant 3 : i32
        %broadcast_in_dim3A_180 = vector.broadcast %broadcast_in_dim3A_179 : i32 to vector<16xi32>
        %gather3A_181 = tpu.vector_load_idx %arg10[%broadcast_in_dim3A, %broadcast_in_dim3A_180] : memref<256x8xf32, #tpu.memory_space<vmem>>[vector<16xi32>, vector<16xi32>], vector<16xf32>,
        %broadcast_in_dim3A_182 = arith.constant 4 : i32
        %broadcast_in_dim3A_183 = vector.broadcast %broadcast_in_dim3A_182 : i32 to vector<16xi32>
        %gather3A_184 = tpu.vector_load_idx %arg10[%broadcast_in_dim3A, %broadcast_in_dim3A_183] : memref<256x8xf32, #tpu.memory_space<vmem>>[vector<16xi32>, vector<16xi32>], vector<16xf32>,
      }
      %scan3A_124 = arith.constant 8 : i32
      %dma_start3A_125 = arith.constant 0 : i32
      %dma_start3A_126 = tpu.memref_slice %arg9[%add3A_104, %dma_start3A_125] : memref<32x48xi32, #tpu.memory_space<vmem>> -> memref<1x48xi32, #tpu.memory_space<vmem>>
      %dma_start3A_127 = tpu.memref_squeeze %dma_start3A_126 : memref<1x48xi32, #tpu.memory_space<vmem>> -> memref<48xi32, #tpu.memory_space<vmem>>
      %dma_start3A_128 = arith.constant 0 : i32
      %dma_start3A_129 = arith.constant 0 : i32
      %dma_start3A_130 = tpu.memref_slice %arg15[%dma_start3A_128, %dma_start3A_129] : memref<4096x128xf32, #tpu.memory_space<vmem_shared>> -> memref<4096x128xf32, #tpu.memory_space<vmem_shared>>
      tpu.enqueue_indirect_dma source(%arg13 : memref<48x128xf32, #tpu.memory_space<vmem>>) target(%dma_start3A_130 : memref<4096x128xf32, #tpu.memory_space<vmem_shared>>) offsets(%dma_start3A_127 : memref<48xi32, #tpu.memory_space<vmem>>) semaphore(%arg18 : memref<!tpu.dma_semaphore, #tpu.memory_space<semaphore_mem>>) {add = true}
      %mul3A_131 = arith.constant 2 : i32
      %mul3A_132 = arith.muli %scan3A_100, %mul3A_131 : i32
      %add3A_133 = arith.constant 1 : i32
      %add3A_134 = arith.addi %mul3A_132, %add3A_133 : i32
      %dma_wait3A_135 = arith.constant 0 : i32
      %dma_wait3A_136 = tpu.memref_slice %arg8[%add3A_134, %dma_wait3A_135] : memref<32x48xi32, #tpu.memory_space<vmem>> -> memref<1x48xi32, #tpu.memory_space<vmem>>
      %dma_wait3A_137 = tpu.memref_squeeze %dma_wait3A_136 : memref<1x48xi32, #tpu.memory_space<vmem>> -> memref<48xi32, #tpu.memory_space<vmem>>
      %dma_wait3A_138 = arith.constant 0 : i32
      %dma_wait3A_139 = arith.constant 0 : i32
      %dma_wait3A_140 = tpu.memref_slice %arg5[%dma_wait3A_138, %dma_wait3A_139] : memref<24576x128xf32, #tpu.memory_space<hbm>> -> memref<24576x128xf32, #tpu.memory_space<hbm>>
      tpu.wait_indirect_dma semaphore(%arg17 : memref<!tpu.dma_semaphore, #tpu.memory_space<semaphore_mem>>) src(%dma_wait3A_140 : memref<24576x128xf32, #tpu.memory_space<hbm>>) dst(%arg12 : memref<48x128xf32, #tpu.memory_space<vmem>>)
      %add3A_141 = arith.constant 1 : i32
      %add3A_142 = arith.addi %add3A_134, %add3A_141 : i32
      %lt3A_143 = arith.constant 32 : i32
      %lt3A_144 = arith.cmpi slt, %add3A_142, %lt3A_143 : i32
      %convert_element_type3A_145 = arith.extui %lt3A_144 : i1 to i32
      %cond3A_146 = arith.constant 0 : i32
      %cond3A_147 = arith.cmpi ne, %convert_element_type3A_145, %cond3A_146 : i32
      scf.if %cond3A_147 {
        %add3A_165 = arith.constant 1 : i32
        %add3A_166 = arith.addi %add3A_134, %add3A_165 : i32
        %dma_start3A_167 = arith.constant 0 : i32
        %dma_start3A_168 = tpu.memref_slice %arg8[%add3A_166, %dma_start3A_167] : memref<32x48xi32, #tpu.memory_space<vmem>> -> memref<1x48xi32, #tpu.memory_space<vmem>>
        %dma_start3A_169 = tpu.memref_squeeze %dma_start3A_168 : memref<1x48xi32, #tpu.memory_space<vmem>> -> memref<48xi32, #tpu.memory_space<vmem>>
        %dma_start3A_170 = arith.constant 0 : i32
        %dma_start3A_171 = arith.constant 0 : i32
        %dma_start3A_172 = tpu.memref_slice %arg5[%dma_start3A_170, %dma_start3A_171] : memref<24576x128xf32, #tpu.memory_space<hbm>> -> memref<24576x128xf32, #tpu.memory_space<hbm>>
        tpu.enqueue_indirect_dma source(%dma_start3A_172 : memref<24576x128xf32, #tpu.memory_space<hbm>>) target(%arg11 : memref<48x128xf32, #tpu.memory_space<vmem>>) offsets(%dma_start3A_169 : memref<48xi32, #tpu.memory_space<vmem>>) semaphore(%arg16 : memref<!tpu.dma_semaphore, #tpu.memory_space<semaphore_mem>>)
      } else {
      }
      %ge3A_148 = arith.constant 2 : i32
      %ge3A_149 = arith.cmpi sge, %add3A_134, %ge3A_148 : i32
      %convert_element_type3A_150 = arith.extui %ge3A_149 : i1 to i32
      %cond3A_151 = arith.constant 0 : i32
      %cond3A_152 = arith.cmpi ne, %convert_element_type3A_150, %cond3A_151 : i32
      scf.if %cond3A_152 {
        %sub3A = arith.constant 2 : i32
        %sub3A_165 = arith.subi %add3A_134, %sub3A : i32
        %dma_wait3A_166 = arith.constant 0 : i32
        %dma_wait3A_167 = tpu.memref_slice %arg9[%sub3A_165, %dma_wait3A_166] : memref<32x48xi32, #tpu.memory_space<vmem>> -> memref<1x48xi32, #tpu.memory_space<vmem>>
        %dma_wait3A_168 = tpu.memref_squeeze %dma_wait3A_167 : memref<1x48xi32, #tpu.memory_space<vmem>> -> memref<48xi32, #tpu.memory_space<vmem>>
        %dma_wait3A_169 = arith.constant 0 : i32
        %dma_wait3A_170 = arith.constant 0 : i32
        %dma_wait3A_171 = tpu.memref_slice %arg15[%dma_wait3A_169, %dma_wait3A_170] : memref<4096x128xf32, #tpu.memory_space<vmem_shared>> -> memref<4096x128xf32, #tpu.memory_space<vmem_shared>>
        tpu.wait_indirect_dma semaphore(%arg19 : memref<!tpu.dma_semaphore, #tpu.memory_space<semaphore_mem>>) src(%arg14 : memref<48x128xf32, #tpu.memory_space<vmem>>) dst(%dma_wait3A_171 : memref<4096x128xf32, #tpu.memory_space<vmem_shared>>)
      } else {
      }
      %scan3A_153 = arith.constant 0 : i32
      %scan3A_154 = arith.constant 0 : i32
      %scan3A_155 = arith.constant 8 : i32
      %scan3A_156 = arith.addi %scan3A_154, %scan3A_155 : i32
      %scan3A_157 = arith.constant 1 : i32
      scf.for %scan3A_165 = %scan3A_154 to %scan3A_156 step %scan3A_157  : i32 {
        %mul3A_166 = arith.constant 6 : i32
        %mul3A_167 = arith.muli %scan3A_165, %mul3A_166 : i32
        %mul3A_168 = arith.constant 8 : i32
        %mul3A_169 = arith.muli %add3A_134, %mul3A_168 : i32
        %add3A_170 = arith.addi %mul3A_169, %scan3A_165 : i32
        %broadcast_in_dim3A = vector.broadcast %add3A_170 : i32 to vector<16xi32>
        %broadcast_in_dim3A_171 = arith.constant 0 : i32
        %broadcast_in_dim3A_172 = vector.broadcast %broadcast_in_dim3A_171 : i32 to vector<16xi32>
        %gather3A = tpu.vector_load_idx %arg10[%broadcast_in_dim3A, %broadcast_in_dim3A_172] : memref<256x8xf32, #tpu.memory_space<vmem>>[vector<16xi32>, vector<16xi32>], vector<16xf32>,
        %broadcast_in_dim3A_173 = arith.constant 1 : i32
        %broadcast_in_dim3A_174 = vector.broadcast %broadcast_in_dim3A_173 : i32 to vector<16xi32>
        %gather3A_175 = tpu.vector_load_idx %arg10[%broadcast_in_dim3A, %broadcast_in_dim3A_174] : memref<256x8xf32, #tpu.memory_space<vmem>>[vector<16xi32>, vector<16xi32>], vector<16xf32>,
        %broadcast_in_dim3A_176 = arith.constant 2 : i32
        %broadcast_in_dim3A_177 = vector.broadcast %broadcast_in_dim3A_176 : i32 to vector<16xi32>
        %gather3A_178 = tpu.vector_load_idx %arg10[%broadcast_in_dim3A, %broadcast_in_dim3A_177] : memref<256x8xf32, #tpu.memory_space<vmem>>[vector<16xi32>, vector<16xi32>], vector<16xf32>,
        %broadcast_in_dim3A_179 = arith.constant 3 : i32
        %broadcast_in_dim3A_180 = vector.broadcast %broadcast_in_dim3A_179 : i32 to vector<16xi32>
        %gather3A_181 = tpu.vector_load_idx %arg10[%broadcast_in_dim3A, %broadcast_in_dim3A_180] : memref<256x8xf32, #tpu.memory_space<vmem>>[vector<16xi32>, vector<16xi32>], vector<16xf32>,
        %broadcast_in_dim3A_182 = arith.constant 4 : i32
        %broadcast_in_dim3A_183 = vector.broadcast %broadcast_in_dim3A_182 : i32 to vector<16xi32>
        %gather3A_184 = tpu.vector_load_idx %arg10[%broadcast_in_dim3A, %broadcast_in_dim3A_183] : memref<256x8xf32, #tpu.memory_space<vmem>>[vector<16xi32>, vector<16xi32>], vector<16xf32>,
      }
      %scan3A_158 = arith.constant 8 : i32
      %dma_start3A_159 = arith.constant 0 : i32
      %dma_start3A_160 = tpu.memref_slice %arg9[%add3A_134, %dma_start3A_159] : memref<32x48xi32, #tpu.memory_space<vmem>> -> memref<1x48xi32, #tpu.memory_space<vmem>>
      %dma_start3A_161 = tpu.memref_squeeze %dma_start3A_160 : memref<1x48xi32, #tpu.memory_space<vmem>> -> memref<48xi32, #tpu.memory_space<vmem>>
      %dma_start3A_162 = arith.constant 0 : i32
      %dma_start3A_163 = arith.constant 0 : i32
      %dma_start3A_164 = tpu.memref_slice %arg15[%dma_start3A_162, %dma_start3A_163] : memref<4096x128xf32, #tpu.memory_space<vmem_shared>> -> memref<4096x128xf32, #tpu.memory_space<vmem_shared>>
      tpu.enqueue_indirect_dma source(%arg14 : memref<48x128xf32, #tpu.memory_space<vmem>>) target(%dma_start3A_164 : memref<4096x128xf32, #tpu.memory_space<vmem_shared>>) offsets(%dma_start3A_161 : memref<48xi32, #tpu.memory_space<vmem>>) semaphore(%arg19 : memref<!tpu.dma_semaphore, #tpu.memory_space<semaphore_mem>>) {add = true}
    }
    %scan3A_11 = arith.constant 16 : i32
    %dma_wait3A = arith.constant 30 : i32
    %dma_wait3A_12 = arith.constant 0 : i32
    %dma_wait3A_13 = tpu.memref_slice %arg9[%dma_wait3A, %dma_wait3A_12] : memref<32x48xi32, #tpu.memory_space<vmem>> -> memref<1x48xi32, #tpu.memory_space<vmem>>
    %dma_wait3A_14 = tpu.memref_squeeze %dma_wait3A_13 : memref<1x48xi32, #tpu.memory_space<vmem>> -> memref<48xi32, #tpu.memory_space<vmem>>
    %dma_wait3A_15 = arith.constant 0 : i32
    %dma_wait3A_16 = arith.constant 0 : i32
    %dma_wait3A_17 = tpu.memref_slice %arg15[%dma_wait3A_15, %dma_wait3A_16] : memref<4096x128xf32, #tpu.memory_space<vmem_shared>> -> memref<4096x128xf32, #tpu.memory_space<vmem_shared>>
    tpu.wait_indirect_dma semaphore(%arg18 : memref<!tpu.dma_semaphore, #tpu.memory_space<semaphore_mem>>) src(%arg13 : memref<48x128xf32, #tpu.memory_space<vmem>>) dst(%dma_wait3A_17 : memref<4096x128xf32, #tpu.memory_space<vmem_shared>>)
    %dma_wait3A_18 = arith.constant 31 : i32
    %dma_wait3A_19 = arith.constant 0 : i32
    %dma_wait3A_20 = tpu.memref_slice %arg9[%dma_wait3A_18, %dma_wait3A_19] : memref<32x48xi32, #tpu.memory_space<vmem>> -> memref<1x48xi32, #tpu.memory_space<vmem>>
    %dma_wait3A_21 = tpu.memref_squeeze %dma_wait3A_20 : memref<1x48xi32, #tpu.memory_space<vmem>> -> memref<48xi32, #tpu.memory_space<vmem>>
    %dma_wait3A_22 = arith.constant 0 : i32
    %dma_wait3A_23 = arith.constant 0 : i32
    %dma_wait3A_24 = tpu.memref_slice %arg15[%dma_wait3A_22, %dma_wait3A_23] : memref<4096x128xf32, #tpu.memory_space<vmem_shared>> -> memref<4096x128xf32, #tpu.memory_space<vmem_shared>>
    tpu.wait_indirect_dma semaphore(%arg19 : memref<!tpu.dma_semaphore, #tpu.memory_space<semaphore_mem>>) src(%arg14 : memref<48x128xf32, #tpu.memory_space<vmem>>) dst(%dma_wait3A_24 : memref<4096x128xf32, #tpu.memory_space<vmem_shared>>)
    %barrier3A_25 = arith.constant 0 : index
    tpu.barrier barrier_id(%barrier3A_25)
    %mul3A_26 = arith.constant 3 : i32
    %mul3A_27 = arith.muli %arg0, %mul3A_26 : i32
    %add3A = arith.constant 0 : i32
    %add3A_28 = arith.addi %mul3A_27, %add3A : i32
    "tpu.region"() ({
      %run_scoped3A_100 = tpu.sem_alloc : memref<!tpu.dma_semaphore, #tpu.memory_space<semaphore_mem>>
      %dma_start3A_101 = arith.constant 0 : i32
      %dma_start3A_102 = tpu.memref_slice %arg7[%add3A_28, %mul3A_0, %dma_start3A_101] : memref<6x4096x128xf32, #tpu.memory_space<hbm>> -> memref<1x256x128xf32, #tpu.memory_space<hbm>>
      %dma_start3A_103 = tpu.memref_squeeze %dma_start3A_102 : memref<1x256x128xf32, #tpu.memory_space<hbm>> -> memref<256x128xf32, #tpu.memory_space<hbm>>
      %dma_start3A_104 = arith.constant 0 : i32
      %dma_start3A_105 = tpu.memref_slice %arg15[%mul3A_0, %dma_start3A_104] : memref<4096x128xf32, #tpu.memory_space<vmem_shared>> -> memref<256x128xf32, #tpu.memory_space<vmem_shared>>
      tpu.enqueue_dma source(%dma_start3A_105 : memref<256x128xf32, #tpu.memory_space<vmem_shared>>) target(%dma_start3A_103 : memref<256x128xf32, #tpu.memory_space<hbm>>) target_semaphore(%run_scoped3A_100 : memref<!tpu.dma_semaphore, #tpu.memory_space<semaphore_mem>>)
      %dma_wait3A_106 = arith.constant 0 : i32
      %dma_wait3A_107 = tpu.memref_slice %arg7[%add3A_28, %mul3A_0, %dma_wait3A_106] : memref<6x4096x128xf32, #tpu.memory_space<hbm>> -> memref<1x256x128xf32, #tpu.memory_space<hbm>>
      %dma_wait3A_108 = tpu.memref_squeeze %dma_wait3A_107 : memref<1x256x128xf32, #tpu.memory_space<hbm>> -> memref<256x128xf32, #tpu.memory_space<hbm>>
      %dma_wait3A_109 = arith.constant 0 : i32
      %dma_wait3A_110 = tpu.memref_slice %arg15[%mul3A_0, %dma_wait3A_109] : memref<4096x128xf32, #tpu.memory_space<vmem_shared>> -> memref<256x128xf32, #tpu.memory_space<vmem_shared>>
      tpu.wait_dma2 semaphore(%run_scoped3A_100 : memref<!tpu.dma_semaphore, #tpu.memory_space<semaphore_mem>>) src(%dma_wait3A_110 : memref<256x128xf32, #tpu.memory_space<vmem_shared>>) dst(%dma_wait3A_108 : memref<256x128xf32, #tpu.memory_space<hbm>>)
      tpu.yield
    }) : () -> ()
    %barrier3A_29 = arith.constant 0 : index
    tpu.barrier barrier_id(%barrier3A_29)
    %run_scoped3A_30 = arith.constant 1 : i32
    "tpu.region"() ({
      %run_scoped3A_100 = tpu.sem_alloc : memref<!tpu.dma_semaphore, #tpu.memory_space<semaphore_mem>>
      %dma_start3A_101 = arith.constant 0 : i32
      %dma_start3A_102 = arith.constant 0 : i32
      %dma_start3A_103 = tpu.memref_slice %arg2[%arg0, %run_scoped3A_30, %arg1, %dma_start3A_101, %dma_start3A_102] : memref<2x3x16x32x48xi32, #tpu.memory_space<hbm>> -> memref<1x1x1x32x48xi32, #tpu.memory_space<hbm>>
      %dma_start3A_104 = tpu.memref_squeeze %dma_start3A_103 : memref<1x1x1x32x48xi32, #tpu.memory_space<hbm>> -> memref<32x48xi32, #tpu.memory_space<hbm>>
      %dma_start3A_105 = arith.constant 0 : i32
      %dma_start3A_106 = arith.constant 0 : i32
      %dma_start3A_107 = tpu.memref_slice %arg2[%arg0, %run_scoped3A_30, %arg1, %dma_start3A_105, %dma_start3A_106] : memref<2x3x16x32x48xi32, #tpu.memory_space<hbm>> -> memref<1x1x1x32x48xi32, #tpu.memory_space<hbm>>
      %dma_start3A_108 = tpu.memref_squeeze %dma_start3A_107 : memref<1x1x1x32x48xi32, #tpu.memory_space<hbm>> -> memref<32x48xi32, #tpu.memory_space<hbm>>
      tpu.enqueue_dma source(%dma_start3A_108 : memref<32x48xi32, #tpu.memory_space<hbm>>) target(%arg8 : memref<32x48xi32, #tpu.memory_space<vmem>>) target_semaphore(%run_scoped3A_100 : memref<!tpu.dma_semaphore, #tpu.memory_space<semaphore_mem>>)
      %dma_wait3A_109 = arith.constant 0 : i32
      %dma_wait3A_110 = arith.constant 0 : i32
      %dma_wait3A_111 = tpu.memref_slice %arg2[%arg0, %run_scoped3A_30, %arg1, %dma_wait3A_109, %dma_wait3A_110] : memref<2x3x16x32x48xi32, #tpu.memory_space<hbm>> -> memref<1x1x1x32x48xi32, #tpu.memory_space<hbm>>
      %dma_wait3A_112 = tpu.memref_squeeze %dma_wait3A_111 : memref<1x1x1x32x48xi32, #tpu.memory_space<hbm>> -> memref<32x48xi32, #tpu.memory_space<hbm>>
      %dma_wait3A_113 = arith.constant 0 : i32
      %dma_wait3A_114 = arith.constant 0 : i32
      %dma_wait3A_115 = tpu.memref_slice %arg2[%arg0, %run_scoped3A_30, %arg1, %dma_wait3A_113, %dma_wait3A_114] : memref<2x3x16x32x48xi32, #tpu.memory_space<hbm>> -> memref<1x1x1x32x48xi32, #tpu.memory_space<hbm>>
      %dma_wait3A_116 = tpu.memref_squeeze %dma_wait3A_115 : memref<1x1x1x32x48xi32, #tpu.memory_space<hbm>> -> memref<32x48xi32, #tpu.memory_space<hbm>>
      tpu.wait_dma2 semaphore(%run_scoped3A_100 : memref<!tpu.dma_semaphore, #tpu.memory_space<semaphore_mem>>) src(%dma_wait3A_116 : memref<32x48xi32, #tpu.memory_space<hbm>>) dst(%arg8 : memref<32x48xi32, #tpu.memory_space<vmem>>)
      tpu.yield
    }) : () -> ()
    "tpu.region"() ({
      %run_scoped3A_100 = tpu.sem_alloc : memref<!tpu.dma_semaphore, #tpu.memory_space<semaphore_mem>>
      %dma_start3A_101 = arith.constant 0 : i32
      %dma_start3A_102 = tpu.memref_slice %arg15[%mul3A_0, %dma_start3A_101] : memref<4096x128xf32, #tpu.memory_space<vmem_shared>> -> memref<256x128xf32, #tpu.memory_space<vmem_shared>>
      tpu.enqueue_dma source(%arg6 : memref<256x128xf32, #tpu.memory_space<hbm>>) target(%dma_start3A_102 : memref<256x128xf32, #tpu.memory_space<vmem_shared>>) target_semaphore(%run_scoped3A_100 : memref<!tpu.dma_semaphore, #tpu.memory_space<semaphore_mem>>)
      %dma_wait3A_103 = arith.constant 0 : i32
      %dma_wait3A_104 = tpu.memref_slice %arg15[%mul3A_0, %dma_wait3A_103] : memref<4096x128xf32, #tpu.memory_space<vmem_shared>> -> memref<256x128xf32, #tpu.memory_space<vmem_shared>>
      tpu.wait_dma2 semaphore(%run_scoped3A_100 : memref<!tpu.dma_semaphore, #tpu.memory_space<semaphore_mem>>) src(%arg6 : memref<256x128xf32, #tpu.memory_space<hbm>>) dst(%dma_wait3A_104 : memref<256x128xf32, #tpu.memory_space<vmem_shared>>)
      tpu.yield
    }) : () -> ()
    %barrier3A_31 = arith.constant 0 : index
    tpu.barrier barrier_id(%barrier3A_31)
    %dma_start3A_32 = arith.constant 0 : i32
    %dma_start3A_33 = arith.constant 0 : i32
    %dma_start3A_34 = tpu.memref_slice %arg8[%dma_start3A_32, %dma_start3A_33] : memref<32x48xi32, #tpu.memory_space<vmem>> -> memref<1x48xi32, #tpu.memory_space<vmem>>
    %dma_start3A_35 = tpu.memref_squeeze %dma_start3A_34 : memref<1x48xi32, #tpu.memory_space<vmem>> -> memref<48xi32, #tpu.memory_space<vmem>>
    %dma_start3A_36 = arith.constant 0 : i32
    %dma_start3A_37 = arith.constant 0 : i32
    %dma_start3A_38 = tpu.memref_slice %arg5[%dma_start3A_36, %dma_start3A_37] : memref<24576x128xf32, #tpu.memory_space<hbm>> -> memref<24576x128xf32, #tpu.memory_space<hbm>>
    tpu.enqueue_indirect_dma source(%dma_start3A_38 : memref<24576x128xf32, #tpu.memory_space<hbm>>) target(%arg11 : memref<48x128xf32, #tpu.memory_space<vmem>>) offsets(%dma_start3A_35 : memref<48xi32, #tpu.memory_space<vmem>>) semaphore(%arg16 : memref<!tpu.dma_semaphore, #tpu.memory_space<semaphore_mem>>)
    %scan3A_39 = arith.constant 0 : i32
    %scan3A_40 = arith.constant 0 : i32
    %scan3A_41 = arith.constant 16 : i32
    %scan3A_42 = arith.addi %scan3A_40, %scan3A_41 : i32
    %scan3A_43 = arith.constant 1 : i32
    scf.for %scan3A_100 = %scan3A_40 to %scan3A_42 step %scan3A_43  : i32 {
      %mul3A_101 = arith.constant 2 : i32
      %mul3A_102 = arith.muli %scan3A_100, %mul3A_101 : i32
      %add3A_103 = arith.constant 0 : i32
      %add3A_104 = arith.addi %mul3A_102, %add3A_103 : i32
      %dma_wait3A_105 = arith.constant 0 : i32
      %dma_wait3A_106 = tpu.memref_slice %arg8[%add3A_104, %dma_wait3A_105] : memref<32x48xi32, #tpu.memory_space<vmem>> -> memref<1x48xi32, #tpu.memory_space<vmem>>
      %dma_wait3A_107 = tpu.memref_squeeze %dma_wait3A_106 : memref<1x48xi32, #tpu.memory_space<vmem>> -> memref<48xi32, #tpu.memory_space<vmem>>
      %dma_wait3A_108 = arith.constant 0 : i32
      %dma_wait3A_109 = arith.constant 0 : i32
      %dma_wait3A_110 = tpu.memref_slice %arg5[%dma_wait3A_108, %dma_wait3A_109] : memref<24576x128xf32, #tpu.memory_space<hbm>> -> memref<24576x128xf32, #tpu.memory_space<hbm>>
      tpu.wait_indirect_dma semaphore(%arg16 : memref<!tpu.dma_semaphore, #tpu.memory_space<semaphore_mem>>) src(%dma_wait3A_110 : memref<24576x128xf32, #tpu.memory_space<hbm>>) dst(%arg11 : memref<48x128xf32, #tpu.memory_space<vmem>>)
      %add3A_111 = arith.constant 1 : i32
      %add3A_112 = arith.addi %add3A_104, %add3A_111 : i32
      %lt3A = arith.constant 32 : i32
      %lt3A_113 = arith.cmpi slt, %add3A_112, %lt3A : i32
      %convert_element_type3A = arith.extui %lt3A_113 : i1 to i32
      %cond3A = arith.constant 0 : i32
      %cond3A_114 = arith.cmpi ne, %convert_element_type3A, %cond3A : i32
      scf.if %cond3A_114 {
        %add3A_165 = arith.constant 1 : i32
        %add3A_166 = arith.addi %add3A_104, %add3A_165 : i32
        %dma_start3A_167 = arith.constant 0 : i32
        %dma_start3A_168 = tpu.memref_slice %arg8[%add3A_166, %dma_start3A_167] : memref<32x48xi32, #tpu.memory_space<vmem>> -> memref<1x48xi32, #tpu.memory_space<vmem>>
        %dma_start3A_169 = tpu.memref_squeeze %dma_start3A_168 : memref<1x48xi32, #tpu.memory_space<vmem>> -> memref<48xi32, #tpu.memory_space<vmem>>
        %dma_start3A_170 = arith.constant 0 : i32
        %dma_start3A_171 = arith.constant 0 : i32
        %dma_start3A_172 = tpu.memref_slice %arg5[%dma_start3A_170, %dma_start3A_171] : memref<24576x128xf32, #tpu.memory_space<hbm>> -> memref<24576x128xf32, #tpu.memory_space<hbm>>
        tpu.enqueue_indirect_dma source(%dma_start3A_172 : memref<24576x128xf32, #tpu.memory_space<hbm>>) target(%arg12 : memref<48x128xf32, #tpu.memory_space<vmem>>) offsets(%dma_start3A_169 : memref<48xi32, #tpu.memory_space<vmem>>) semaphore(%arg17 : memref<!tpu.dma_semaphore, #tpu.memory_space<semaphore_mem>>)
      } else {
      }
      %ge3A = arith.constant 2 : i32
      %ge3A_115 = arith.cmpi sge, %add3A_104, %ge3A : i32
      %convert_element_type3A_116 = arith.extui %ge3A_115 : i1 to i32
      %cond3A_117 = arith.constant 0 : i32
      %cond3A_118 = arith.cmpi ne, %convert_element_type3A_116, %cond3A_117 : i32
      scf.if %cond3A_118 {
        %sub3A = arith.constant 2 : i32
        %sub3A_165 = arith.subi %add3A_104, %sub3A : i32
        %dma_wait3A_166 = arith.constant 0 : i32
        %dma_wait3A_167 = tpu.memref_slice %arg9[%sub3A_165, %dma_wait3A_166] : memref<32x48xi32, #tpu.memory_space<vmem>> -> memref<1x48xi32, #tpu.memory_space<vmem>>
        %dma_wait3A_168 = tpu.memref_squeeze %dma_wait3A_167 : memref<1x48xi32, #tpu.memory_space<vmem>> -> memref<48xi32, #tpu.memory_space<vmem>>
        %dma_wait3A_169 = arith.constant 0 : i32
        %dma_wait3A_170 = arith.constant 0 : i32
        %dma_wait3A_171 = tpu.memref_slice %arg15[%dma_wait3A_169, %dma_wait3A_170] : memref<4096x128xf32, #tpu.memory_space<vmem_shared>> -> memref<4096x128xf32, #tpu.memory_space<vmem_shared>>
        tpu.wait_indirect_dma semaphore(%arg18 : memref<!tpu.dma_semaphore, #tpu.memory_space<semaphore_mem>>) src(%arg13 : memref<48x128xf32, #tpu.memory_space<vmem>>) dst(%dma_wait3A_171 : memref<4096x128xf32, #tpu.memory_space<vmem_shared>>)
      } else {
      }
      %scan3A_119 = arith.constant 0 : i32
      %scan3A_120 = arith.constant 0 : i32
      %scan3A_121 = arith.constant 8 : i32
      %scan3A_122 = arith.addi %scan3A_120, %scan3A_121 : i32
      %scan3A_123 = arith.constant 1 : i32
      scf.for %scan3A_165 = %scan3A_120 to %scan3A_122 step %scan3A_123  : i32 {
        %mul3A_166 = arith.constant 6 : i32
        %mul3A_167 = arith.muli %scan3A_165, %mul3A_166 : i32
        %mul3A_168 = arith.constant 8 : i32
        %mul3A_169 = arith.muli %add3A_104, %mul3A_168 : i32
        %add3A_170 = arith.addi %mul3A_169, %scan3A_165 : i32
        %broadcast_in_dim3A = vector.broadcast %add3A_170 : i32 to vector<16xi32>
        %broadcast_in_dim3A_171 = arith.constant 0 : i32
        %broadcast_in_dim3A_172 = vector.broadcast %broadcast_in_dim3A_171 : i32 to vector<16xi32>
        %gather3A = tpu.vector_load_idx %arg10[%broadcast_in_dim3A, %broadcast_in_dim3A_172] : memref<256x8xf32, #tpu.memory_space<vmem>>[vector<16xi32>, vector<16xi32>], vector<16xf32>,
        %broadcast_in_dim3A_173 = arith.constant 1 : i32
        %broadcast_in_dim3A_174 = vector.broadcast %broadcast_in_dim3A_173 : i32 to vector<16xi32>
        %gather3A_175 = tpu.vector_load_idx %arg10[%broadcast_in_dim3A, %broadcast_in_dim3A_174] : memref<256x8xf32, #tpu.memory_space<vmem>>[vector<16xi32>, vector<16xi32>], vector<16xf32>,
        %broadcast_in_dim3A_176 = arith.constant 2 : i32
        %broadcast_in_dim3A_177 = vector.broadcast %broadcast_in_dim3A_176 : i32 to vector<16xi32>
        %gather3A_178 = tpu.vector_load_idx %arg10[%broadcast_in_dim3A, %broadcast_in_dim3A_177] : memref<256x8xf32, #tpu.memory_space<vmem>>[vector<16xi32>, vector<16xi32>], vector<16xf32>,
        %broadcast_in_dim3A_179 = arith.constant 3 : i32
        %broadcast_in_dim3A_180 = vector.broadcast %broadcast_in_dim3A_179 : i32 to vector<16xi32>
        %gather3A_181 = tpu.vector_load_idx %arg10[%broadcast_in_dim3A, %broadcast_in_dim3A_180] : memref<256x8xf32, #tpu.memory_space<vmem>>[vector<16xi32>, vector<16xi32>], vector<16xf32>,
        %broadcast_in_dim3A_182 = arith.constant 4 : i32
        %broadcast_in_dim3A_183 = vector.broadcast %broadcast_in_dim3A_182 : i32 to vector<16xi32>
        %gather3A_184 = tpu.vector_load_idx %arg10[%broadcast_in_dim3A, %broadcast_in_dim3A_183] : memref<256x8xf32, #tpu.memory_space<vmem>>[vector<16xi32>, vector<16xi32>], vector<16xf32>,
      }
      %scan3A_124 = arith.constant 8 : i32
      %dma_start3A_125 = arith.constant 0 : i32
      %dma_start3A_126 = tpu.memref_slice %arg9[%add3A_104, %dma_start3A_125] : memref<32x48xi32, #tpu.memory_space<vmem>> -> memref<1x48xi32, #tpu.memory_space<vmem>>
      %dma_start3A_127 = tpu.memref_squeeze %dma_start3A_126 : memref<1x48xi32, #tpu.memory_space<vmem>> -> memref<48xi32, #tpu.memory_space<vmem>>
      %dma_start3A_128 = arith.constant 0 : i32
      %dma_start3A_129 = arith.constant 0 : i32
      %dma_start3A_130 = tpu.memref_slice %arg15[%dma_start3A_128, %dma_start3A_129] : memref<4096x128xf32, #tpu.memory_space<vmem_shared>> -> memref<4096x128xf32, #tpu.memory_space<vmem_shared>>
      tpu.enqueue_indirect_dma source(%arg13 : memref<48x128xf32, #tpu.memory_space<vmem>>) target(%dma_start3A_130 : memref<4096x128xf32, #tpu.memory_space<vmem_shared>>) offsets(%dma_start3A_127 : memref<48xi32, #tpu.memory_space<vmem>>) semaphore(%arg18 : memref<!tpu.dma_semaphore, #tpu.memory_space<semaphore_mem>>) {add = true}
      %mul3A_131 = arith.constant 2 : i32
      %mul3A_132 = arith.muli %scan3A_100, %mul3A_131 : i32
      %add3A_133 = arith.constant 1 : i32
      %add3A_134 = arith.addi %mul3A_132, %add3A_133 : i32
      %dma_wait3A_135 = arith.constant 0 : i32
      %dma_wait3A_136 = tpu.memref_slice %arg8[%add3A_134, %dma_wait3A_135] : memref<32x48xi32, #tpu.memory_space<vmem>> -> memref<1x48xi32, #tpu.memory_space<vmem>>
      %dma_wait3A_137 = tpu.memref_squeeze %dma_wait3A_136 : memref<1x48xi32, #tpu.memory_space<vmem>> -> memref<48xi32, #tpu.memory_space<vmem>>
      %dma_wait3A_138 = arith.constant 0 : i32
      %dma_wait3A_139 = arith.constant 0 : i32
      %dma_wait3A_140 = tpu.memref_slice %arg5[%dma_wait3A_138, %dma_wait3A_139] : memref<24576x128xf32, #tpu.memory_space<hbm>> -> memref<24576x128xf32, #tpu.memory_space<hbm>>
      tpu.wait_indirect_dma semaphore(%arg17 : memref<!tpu.dma_semaphore, #tpu.memory_space<semaphore_mem>>) src(%dma_wait3A_140 : memref<24576x128xf32, #tpu.memory_space<hbm>>) dst(%arg12 : memref<48x128xf32, #tpu.memory_space<vmem>>)
      %add3A_141 = arith.constant 1 : i32
      %add3A_142 = arith.addi %add3A_134, %add3A_141 : i32
      %lt3A_143 = arith.constant 32 : i32
      %lt3A_144 = arith.cmpi slt, %add3A_142, %lt3A_143 : i32
      %convert_element_type3A_145 = arith.extui %lt3A_144 : i1 to i32
      %cond3A_146 = arith.constant 0 : i32
      %cond3A_147 = arith.cmpi ne, %convert_element_type3A_145, %cond3A_146 : i32
      scf.if %cond3A_147 {
        %add3A_165 = arith.constant 1 : i32
        %add3A_166 = arith.addi %add3A_134, %add3A_165 : i32
        %dma_start3A_167 = arith.constant 0 : i32
        %dma_start3A_168 = tpu.memref_slice %arg8[%add3A_166, %dma_start3A_167] : memref<32x48xi32, #tpu.memory_space<vmem>> -> memref<1x48xi32, #tpu.memory_space<vmem>>
        %dma_start3A_169 = tpu.memref_squeeze %dma_start3A_168 : memref<1x48xi32, #tpu.memory_space<vmem>> -> memref<48xi32, #tpu.memory_space<vmem>>
        %dma_start3A_170 = arith.constant 0 : i32
        %dma_start3A_171 = arith.constant 0 : i32
        %dma_start3A_172 = tpu.memref_slice %arg5[%dma_start3A_170, %dma_start3A_171] : memref<24576x128xf32, #tpu.memory_space<hbm>> -> memref<24576x128xf32, #tpu.memory_space<hbm>>
        tpu.enqueue_indirect_dma source(%dma_start3A_172 : memref<24576x128xf32, #tpu.memory_space<hbm>>) target(%arg11 : memref<48x128xf32, #tpu.memory_space<vmem>>) offsets(%dma_start3A_169 : memref<48xi32, #tpu.memory_space<vmem>>) semaphore(%arg16 : memref<!tpu.dma_semaphore, #tpu.memory_space<semaphore_mem>>)
      } else {
      }
      %ge3A_148 = arith.constant 2 : i32
      %ge3A_149 = arith.cmpi sge, %add3A_134, %ge3A_148 : i32
      %convert_element_type3A_150 = arith.extui %ge3A_149 : i1 to i32
      %cond3A_151 = arith.constant 0 : i32
      %cond3A_152 = arith.cmpi ne, %convert_element_type3A_150, %cond3A_151 : i32
      scf.if %cond3A_152 {
        %sub3A = arith.constant 2 : i32
        %sub3A_165 = arith.subi %add3A_134, %sub3A : i32
        %dma_wait3A_166 = arith.constant 0 : i32
        %dma_wait3A_167 = tpu.memref_slice %arg9[%sub3A_165, %dma_wait3A_166] : memref<32x48xi32, #tpu.memory_space<vmem>> -> memref<1x48xi32, #tpu.memory_space<vmem>>
        %dma_wait3A_168 = tpu.memref_squeeze %dma_wait3A_167 : memref<1x48xi32, #tpu.memory_space<vmem>> -> memref<48xi32, #tpu.memory_space<vmem>>
        %dma_wait3A_169 = arith.constant 0 : i32
        %dma_wait3A_170 = arith.constant 0 : i32
        %dma_wait3A_171 = tpu.memref_slice %arg15[%dma_wait3A_169, %dma_wait3A_170] : memref<4096x128xf32, #tpu.memory_space<vmem_shared>> -> memref<4096x128xf32, #tpu.memory_space<vmem_shared>>
        tpu.wait_indirect_dma semaphore(%arg19 : memref<!tpu.dma_semaphore, #tpu.memory_space<semaphore_mem>>) src(%arg14 : memref<48x128xf32, #tpu.memory_space<vmem>>) dst(%dma_wait3A_171 : memref<4096x128xf32, #tpu.memory_space<vmem_shared>>)
      } else {
      }
      %scan3A_153 = arith.constant 0 : i32
      %scan3A_154 = arith.constant 0 : i32
      %scan3A_155 = arith.constant 8 : i32
      %scan3A_156 = arith.addi %scan3A_154, %scan3A_155 : i32
      %scan3A_157 = arith.constant 1 : i32
      scf.for %scan3A_165 = %scan3A_154 to %scan3A_156 step %scan3A_157  : i32 {
        %mul3A_166 = arith.constant 6 : i32
        %mul3A_167 = arith.muli %scan3A_165, %mul3A_166 : i32
        %mul3A_168 = arith.constant 8 : i32
        %mul3A_169 = arith.muli %add3A_134, %mul3A_168 : i32
        %add3A_170 = arith.addi %mul3A_169, %scan3A_165 : i32
        %broadcast_in_dim3A = vector.broadcast %add3A_170 : i32 to vector<16xi32>
        %broadcast_in_dim3A_171 = arith.constant 0 : i32
        %broadcast_in_dim3A_172 = vector.broadcast %broadcast_in_dim3A_171 : i32 to vector<16xi32>
        %gather3A = tpu.vector_load_idx %arg10[%broadcast_in_dim3A, %broadcast_in_dim3A_172] : memref<256x8xf32, #tpu.memory_space<vmem>>[vector<16xi32>, vector<16xi32>], vector<16xf32>,
        %broadcast_in_dim3A_173 = arith.constant 1 : i32
        %broadcast_in_dim3A_174 = vector.broadcast %broadcast_in_dim3A_173 : i32 to vector<16xi32>
        %gather3A_175 = tpu.vector_load_idx %arg10[%broadcast_in_dim3A, %broadcast_in_dim3A_174] : memref<256x8xf32, #tpu.memory_space<vmem>>[vector<16xi32>, vector<16xi32>], vector<16xf32>,
        %broadcast_in_dim3A_176 = arith.constant 2 : i32
        %broadcast_in_dim3A_177 = vector.broadcast %broadcast_in_dim3A_176 : i32 to vector<16xi32>
        %gather3A_178 = tpu.vector_load_idx %arg10[%broadcast_in_dim3A, %broadcast_in_dim3A_177] : memref<256x8xf32, #tpu.memory_space<vmem>>[vector<16xi32>, vector<16xi32>], vector<16xf32>,
        %broadcast_in_dim3A_179 = arith.constant 3 : i32
        %broadcast_in_dim3A_180 = vector.broadcast %broadcast_in_dim3A_179 : i32 to vector<16xi32>
        %gather3A_181 = tpu.vector_load_idx %arg10[%broadcast_in_dim3A, %broadcast_in_dim3A_180] : memref<256x8xf32, #tpu.memory_space<vmem>>[vector<16xi32>, vector<16xi32>], vector<16xf32>,
        %broadcast_in_dim3A_182 = arith.constant 4 : i32
        %broadcast_in_dim3A_183 = vector.broadcast %broadcast_in_dim3A_182 : i32 to vector<16xi32>
        %gather3A_184 = tpu.vector_load_idx %arg10[%broadcast_in_dim3A, %broadcast_in_dim3A_183] : memref<256x8xf32, #tpu.memory_space<vmem>>[vector<16xi32>, vector<16xi32>], vector<16xf32>,
      }
      %scan3A_158 = arith.constant 8 : i32
      %dma_start3A_159 = arith.constant 0 : i32
      %dma_start3A_160 = tpu.memref_slice %arg9[%add3A_134, %dma_start3A_159] : memref<32x48xi32, #tpu.memory_space<vmem>> -> memref<1x48xi32, #tpu.memory_space<vmem>>
      %dma_start3A_161 = tpu.memref_squeeze %dma_start3A_160 : memref<1x48xi32, #tpu.memory_space<vmem>> -> memref<48xi32, #tpu.memory_space<vmem>>
      %dma_start3A_162 = arith.constant 0 : i32
      %dma_start3A_163 = arith.constant 0 : i32
      %dma_start3A_164 = tpu.memref_slice %arg15[%dma_start3A_162, %dma_start3A_163] : memref<4096x128xf32, #tpu.memory_space<vmem_shared>> -> memref<4096x128xf32, #tpu.memory_space<vmem_shared>>
      tpu.enqueue_indirect_dma source(%arg14 : memref<48x128xf32, #tpu.memory_space<vmem>>) target(%dma_start3A_164 : memref<4096x128xf32, #tpu.memory_space<vmem_shared>>) offsets(%dma_start3A_161 : memref<48xi32, #tpu.memory_space<vmem>>) semaphore(%arg19 : memref<!tpu.dma_semaphore, #tpu.memory_space<semaphore_mem>>) {add = true}
    }
    %scan3A_44 = arith.constant 16 : i32
    %dma_wait3A_45 = arith.constant 30 : i32
    %dma_wait3A_46 = arith.constant 0 : i32
    %dma_wait3A_47 = tpu.memref_slice %arg9[%dma_wait3A_45, %dma_wait3A_46] : memref<32x48xi32, #tpu.memory_space<vmem>> -> memref<1x48xi32, #tpu.memory_space<vmem>>
    %dma_wait3A_48 = tpu.memref_squeeze %dma_wait3A_47 : memref<1x48xi32, #tpu.memory_space<vmem>> -> memref<48xi32, #tpu.memory_space<vmem>>
    %dma_wait3A_49 = arith.constant 0 : i32
    %dma_wait3A_50 = arith.constant 0 : i32
    %dma_wait3A_51 = tpu.memref_slice %arg15[%dma_wait3A_49, %dma_wait3A_50] : memref<4096x128xf32, #tpu.memory_space<vmem_shared>> -> memref<4096x128xf32, #tpu.memory_space<vmem_shared>>
    tpu.wait_indirect_dma semaphore(%arg18 : memref<!tpu.dma_semaphore, #tpu.memory_space<semaphore_mem>>) src(%arg13 : memref<48x128xf32, #tpu.memory_space<vmem>>) dst(%dma_wait3A_51 : memref<4096x128xf32, #tpu.memory_space<vmem_shared>>)
    %dma_wait3A_52 = arith.constant 31 : i32
    %dma_wait3A_53 = arith.constant 0 : i32
    %dma_wait3A_54 = tpu.memref_slice %arg9[%dma_wait3A_52, %dma_wait3A_53] : memref<32x48xi32, #tpu.memory_space<vmem>> -> memref<1x48xi32, #tpu.memory_space<vmem>>
    %dma_wait3A_55 = tpu.memref_squeeze %dma_wait3A_54 : memref<1x48xi32, #tpu.memory_space<vmem>> -> memref<48xi32, #tpu.memory_space<vmem>>
    %dma_wait3A_56 = arith.constant 0 : i32
    %dma_wait3A_57 = arith.constant 0 : i32
    %dma_wait3A_58 = tpu.memref_slice %arg15[%dma_wait3A_56, %dma_wait3A_57] : memref<4096x128xf32, #tpu.memory_space<vmem_shared>> -> memref<4096x128xf32, #tpu.memory_space<vmem_shared>>
    tpu.wait_indirect_dma semaphore(%arg19 : memref<!tpu.dma_semaphore, #tpu.memory_space<semaphore_mem>>) src(%arg14 : memref<48x128xf32, #tpu.memory_space<vmem>>) dst(%dma_wait3A_58 : memref<4096x128xf32, #tpu.memory_space<vmem_shared>>)
    %barrier3A_59 = arith.constant 0 : index
    tpu.barrier barrier_id(%barrier3A_59)
    %mul3A_60 = arith.constant 3 : i32
    %mul3A_61 = arith.muli %arg0, %mul3A_60 : i32
    %add3A_62 = arith.constant 1 : i32
    %add3A_63 = arith.addi %mul3A_61, %add3A_62 : i32
    "tpu.region"() ({
      %run_scoped3A_100 = tpu.sem_alloc : memref<!tpu.dma_semaphore, #tpu.memory_space<semaphore_mem>>
      %dma_start3A_101 = arith.constant 0 : i32
      %dma_start3A_102 = tpu.memref_slice %arg7[%add3A_63, %mul3A_0, %dma_start3A_101] : memref<6x4096x128xf32, #tpu.memory_space<hbm>> -> memref<1x256x128xf32, #tpu.memory_space<hbm>>
      %dma_start3A_103 = tpu.memref_squeeze %dma_start3A_102 : memref<1x256x128xf32, #tpu.memory_space<hbm>> -> memref<256x128xf32, #tpu.memory_space<hbm>>
      %dma_start3A_104 = arith.constant 0 : i32
      %dma_start3A_105 = tpu.memref_slice %arg15[%mul3A_0, %dma_start3A_104] : memref<4096x128xf32, #tpu.memory_space<vmem_shared>> -> memref<256x128xf32, #tpu.memory_space<vmem_shared>>
      tpu.enqueue_dma source(%dma_start3A_105 : memref<256x128xf32, #tpu.memory_space<vmem_shared>>) target(%dma_start3A_103 : memref<256x128xf32, #tpu.memory_space<hbm>>) target_semaphore(%run_scoped3A_100 : memref<!tpu.dma_semaphore, #tpu.memory_space<semaphore_mem>>)
      %dma_wait3A_106 = arith.constant 0 : i32
      %dma_wait3A_107 = tpu.memref_slice %arg7[%add3A_63, %mul3A_0, %dma_wait3A_106] : memref<6x4096x128xf32, #tpu.memory_space<hbm>> -> memref<1x256x128xf32, #tpu.memory_space<hbm>>
      %dma_wait3A_108 = tpu.memref_squeeze %dma_wait3A_107 : memref<1x256x128xf32, #tpu.memory_space<hbm>> -> memref<256x128xf32, #tpu.memory_space<hbm>>
      %dma_wait3A_109 = arith.constant 0 : i32
      %dma_wait3A_110 = tpu.memref_slice %arg15[%mul3A_0, %dma_wait3A_109] : memref<4096x128xf32, #tpu.memory_space<vmem_shared>> -> memref<256x128xf32, #tpu.memory_space<vmem_shared>>
      tpu.wait_dma2 semaphore(%run_scoped3A_100 : memref<!tpu.dma_semaphore, #tpu.memory_space<semaphore_mem>>) src(%dma_wait3A_110 : memref<256x128xf32, #tpu.memory_space<vmem_shared>>) dst(%dma_wait3A_108 : memref<256x128xf32, #tpu.memory_space<hbm>>)
      tpu.yield
    }) : () -> ()
    %barrier3A_64 = arith.constant 0 : index
    tpu.barrier barrier_id(%barrier3A_64)
    %run_scoped3A_65 = arith.constant 2 : i32
    "tpu.region"() ({
      %run_scoped3A_100 = tpu.sem_alloc : memref<!tpu.dma_semaphore, #tpu.memory_space<semaphore_mem>>
      %dma_start3A_101 = arith.constant 0 : i32
      %dma_start3A_102 = arith.constant 0 : i32
      %dma_start3A_103 = tpu.memref_slice %arg2[%arg0, %run_scoped3A_65, %arg1, %dma_start3A_101, %dma_start3A_102] : memref<2x3x16x32x48xi32, #tpu.memory_space<hbm>> -> memref<1x1x1x32x48xi32, #tpu.memory_space<hbm>>
      %dma_start3A_104 = tpu.memref_squeeze %dma_start3A_103 : memref<1x1x1x32x48xi32, #tpu.memory_space<hbm>> -> memref<32x48xi32, #tpu.memory_space<hbm>>
      %dma_start3A_105 = arith.constant 0 : i32
      %dma_start3A_106 = arith.constant 0 : i32
      %dma_start3A_107 = tpu.memref_slice %arg2[%arg0, %run_scoped3A_65, %arg1, %dma_start3A_105, %dma_start3A_106] : memref<2x3x16x32x48xi32, #tpu.memory_space<hbm>> -> memref<1x1x1x32x48xi32, #tpu.memory_space<hbm>>
      %dma_start3A_108 = tpu.memref_squeeze %dma_start3A_107 : memref<1x1x1x32x48xi32, #tpu.memory_space<hbm>> -> memref<32x48xi32, #tpu.memory_space<hbm>>
      tpu.enqueue_dma source(%dma_start3A_108 : memref<32x48xi32, #tpu.memory_space<hbm>>) target(%arg8 : memref<32x48xi32, #tpu.memory_space<vmem>>) target_semaphore(%run_scoped3A_100 : memref<!tpu.dma_semaphore, #tpu.memory_space<semaphore_mem>>)
      %dma_wait3A_109 = arith.constant 0 : i32
      %dma_wait3A_110 = arith.constant 0 : i32
      %dma_wait3A_111 = tpu.memref_slice %arg2[%arg0, %run_scoped3A_65, %arg1, %dma_wait3A_109, %dma_wait3A_110] : memref<2x3x16x32x48xi32, #tpu.memory_space<hbm>> -> memref<1x1x1x32x48xi32, #tpu.memory_space<hbm>>
      %dma_wait3A_112 = tpu.memref_squeeze %dma_wait3A_111 : memref<1x1x1x32x48xi32, #tpu.memory_space<hbm>> -> memref<32x48xi32, #tpu.memory_space<hbm>>
      %dma_wait3A_113 = arith.constant 0 : i32
      %dma_wait3A_114 = arith.constant 0 : i32
      %dma_wait3A_115 = tpu.memref_slice %arg2[%arg0, %run_scoped3A_65, %arg1, %dma_wait3A_113, %dma_wait3A_114] : memref<2x3x16x32x48xi32, #tpu.memory_space<hbm>> -> memref<1x1x1x32x48xi32, #tpu.memory_space<hbm>>
      %dma_wait3A_116 = tpu.memref_squeeze %dma_wait3A_115 : memref<1x1x1x32x48xi32, #tpu.memory_space<hbm>> -> memref<32x48xi32, #tpu.memory_space<hbm>>
      tpu.wait_dma2 semaphore(%run_scoped3A_100 : memref<!tpu.dma_semaphore, #tpu.memory_space<semaphore_mem>>) src(%dma_wait3A_116 : memref<32x48xi32, #tpu.memory_space<hbm>>) dst(%arg8 : memref<32x48xi32, #tpu.memory_space<vmem>>)
      tpu.yield
    }) : () -> ()
    "tpu.region"() ({
      %run_scoped3A_100 = tpu.sem_alloc : memref<!tpu.dma_semaphore, #tpu.memory_space<semaphore_mem>>
      %dma_start3A_101 = arith.constant 0 : i32
      %dma_start3A_102 = tpu.memref_slice %arg15[%mul3A_0, %dma_start3A_101] : memref<4096x128xf32, #tpu.memory_space<vmem_shared>> -> memref<256x128xf32, #tpu.memory_space<vmem_shared>>
      tpu.enqueue_dma source(%arg6 : memref<256x128xf32, #tpu.memory_space<hbm>>) target(%dma_start3A_102 : memref<256x128xf32, #tpu.memory_space<vmem_shared>>) target_semaphore(%run_scoped3A_100 : memref<!tpu.dma_semaphore, #tpu.memory_space<semaphore_mem>>)
      %dma_wait3A_103 = arith.constant 0 : i32
      %dma_wait3A_104 = tpu.memref_slice %arg15[%mul3A_0, %dma_wait3A_103] : memref<4096x128xf32, #tpu.memory_space<vmem_shared>> -> memref<256x128xf32, #tpu.memory_space<vmem_shared>>
      tpu.wait_dma2 semaphore(%run_scoped3A_100 : memref<!tpu.dma_semaphore, #tpu.memory_space<semaphore_mem>>) src(%arg6 : memref<256x128xf32, #tpu.memory_space<hbm>>) dst(%dma_wait3A_104 : memref<256x128xf32, #tpu.memory_space<vmem_shared>>)
      tpu.yield
    }) : () -> ()
    %barrier3A_66 = arith.constant 0 : index
    tpu.barrier barrier_id(%barrier3A_66)
    %dma_start3A_67 = arith.constant 0 : i32
    %dma_start3A_68 = arith.constant 0 : i32
    %dma_start3A_69 = tpu.memref_slice %arg8[%dma_start3A_67, %dma_start3A_68] : memref<32x48xi32, #tpu.memory_space<vmem>> -> memref<1x48xi32, #tpu.memory_space<vmem>>
    %dma_start3A_70 = tpu.memref_squeeze %dma_start3A_69 : memref<1x48xi32, #tpu.memory_space<vmem>> -> memref<48xi32, #tpu.memory_space<vmem>>
    %dma_start3A_71 = arith.constant 0 : i32
    %dma_start3A_72 = arith.constant 0 : i32
    %dma_start3A_73 = tpu.memref_slice %arg5[%dma_start3A_71, %dma_start3A_72] : memref<24576x128xf32, #tpu.memory_space<hbm>> -> memref<24576x128xf32, #tpu.memory_space<hbm>>
    tpu.enqueue_indirect_dma source(%dma_start3A_73 : memref<24576x128xf32, #tpu.memory_space<hbm>>) target(%arg11 : memref<48x128xf32, #tpu.memory_space<vmem>>) offsets(%dma_start3A_70 : memref<48xi32, #tpu.memory_space<vmem>>) semaphore(%arg16 : memref<!tpu.dma_semaphore, #tpu.memory_space<semaphore_mem>>)
    %scan3A_74 = arith.constant 0 : i32
    %scan3A_75 = arith.constant 0 : i32
    %scan3A_76 = arith.constant 16 : i32
    %scan3A_77 = arith.addi %scan3A_75, %scan3A_76 : i32
    %scan3A_78 = arith.constant 1 : i32
    scf.for %scan3A_100 = %scan3A_75 to %scan3A_77 step %scan3A_78  : i32 {
      %mul3A_101 = arith.constant 2 : i32
      %mul3A_102 = arith.muli %scan3A_100, %mul3A_101 : i32
      %add3A_103 = arith.constant 0 : i32
      %add3A_104 = arith.addi %mul3A_102, %add3A_103 : i32
      %dma_wait3A_105 = arith.constant 0 : i32
      %dma_wait3A_106 = tpu.memref_slice %arg8[%add3A_104, %dma_wait3A_105] : memref<32x48xi32, #tpu.memory_space<vmem>> -> memref<1x48xi32, #tpu.memory_space<vmem>>
      %dma_wait3A_107 = tpu.memref_squeeze %dma_wait3A_106 : memref<1x48xi32, #tpu.memory_space<vmem>> -> memref<48xi32, #tpu.memory_space<vmem>>
      %dma_wait3A_108 = arith.constant 0 : i32
      %dma_wait3A_109 = arith.constant 0 : i32
      %dma_wait3A_110 = tpu.memref_slice %arg5[%dma_wait3A_108, %dma_wait3A_109] : memref<24576x128xf32, #tpu.memory_space<hbm>> -> memref<24576x128xf32, #tpu.memory_space<hbm>>
      tpu.wait_indirect_dma semaphore(%arg16 : memref<!tpu.dma_semaphore, #tpu.memory_space<semaphore_mem>>) src(%dma_wait3A_110 : memref<24576x128xf32, #tpu.memory_space<hbm>>) dst(%arg11 : memref<48x128xf32, #tpu.memory_space<vmem>>)
      %add3A_111 = arith.constant 1 : i32
      %add3A_112 = arith.addi %add3A_104, %add3A_111 : i32
      %lt3A = arith.constant 32 : i32
      %lt3A_113 = arith.cmpi slt, %add3A_112, %lt3A : i32
      %convert_element_type3A = arith.extui %lt3A_113 : i1 to i32
      %cond3A = arith.constant 0 : i32
      %cond3A_114 = arith.cmpi ne, %convert_element_type3A, %cond3A : i32
      scf.if %cond3A_114 {
        %add3A_165 = arith.constant 1 : i32
        %add3A_166 = arith.addi %add3A_104, %add3A_165 : i32
        %dma_start3A_167 = arith.constant 0 : i32
        %dma_start3A_168 = tpu.memref_slice %arg8[%add3A_166, %dma_start3A_167] : memref<32x48xi32, #tpu.memory_space<vmem>> -> memref<1x48xi32, #tpu.memory_space<vmem>>
        %dma_start3A_169 = tpu.memref_squeeze %dma_start3A_168 : memref<1x48xi32, #tpu.memory_space<vmem>> -> memref<48xi32, #tpu.memory_space<vmem>>
        %dma_start3A_170 = arith.constant 0 : i32
        %dma_start3A_171 = arith.constant 0 : i32
        %dma_start3A_172 = tpu.memref_slice %arg5[%dma_start3A_170, %dma_start3A_171] : memref<24576x128xf32, #tpu.memory_space<hbm>> -> memref<24576x128xf32, #tpu.memory_space<hbm>>
        tpu.enqueue_indirect_dma source(%dma_start3A_172 : memref<24576x128xf32, #tpu.memory_space<hbm>>) target(%arg12 : memref<48x128xf32, #tpu.memory_space<vmem>>) offsets(%dma_start3A_169 : memref<48xi32, #tpu.memory_space<vmem>>) semaphore(%arg17 : memref<!tpu.dma_semaphore, #tpu.memory_space<semaphore_mem>>)
      } else {
      }
      %ge3A = arith.constant 2 : i32
      %ge3A_115 = arith.cmpi sge, %add3A_104, %ge3A : i32
      %convert_element_type3A_116 = arith.extui %ge3A_115 : i1 to i32
      %cond3A_117 = arith.constant 0 : i32
      %cond3A_118 = arith.cmpi ne, %convert_element_type3A_116, %cond3A_117 : i32
      scf.if %cond3A_118 {
        %sub3A = arith.constant 2 : i32
        %sub3A_165 = arith.subi %add3A_104, %sub3A : i32
        %dma_wait3A_166 = arith.constant 0 : i32
        %dma_wait3A_167 = tpu.memref_slice %arg9[%sub3A_165, %dma_wait3A_166] : memref<32x48xi32, #tpu.memory_space<vmem>> -> memref<1x48xi32, #tpu.memory_space<vmem>>
        %dma_wait3A_168 = tpu.memref_squeeze %dma_wait3A_167 : memref<1x48xi32, #tpu.memory_space<vmem>> -> memref<48xi32, #tpu.memory_space<vmem>>
        %dma_wait3A_169 = arith.constant 0 : i32
        %dma_wait3A_170 = arith.constant 0 : i32
        %dma_wait3A_171 = tpu.memref_slice %arg15[%dma_wait3A_169, %dma_wait3A_170] : memref<4096x128xf32, #tpu.memory_space<vmem_shared>> -> memref<4096x128xf32, #tpu.memory_space<vmem_shared>>
        tpu.wait_indirect_dma semaphore(%arg18 : memref<!tpu.dma_semaphore, #tpu.memory_space<semaphore_mem>>) src(%arg13 : memref<48x128xf32, #tpu.memory_space<vmem>>) dst(%dma_wait3A_171 : memref<4096x128xf32, #tpu.memory_space<vmem_shared>>)
      } else {
      }
      %scan3A_119 = arith.constant 0 : i32
      %scan3A_120 = arith.constant 0 : i32
      %scan3A_121 = arith.constant 8 : i32
      %scan3A_122 = arith.addi %scan3A_120, %scan3A_121 : i32
      %scan3A_123 = arith.constant 1 : i32
      scf.for %scan3A_165 = %scan3A_120 to %scan3A_122 step %scan3A_123  : i32 {
        %mul3A_166 = arith.constant 6 : i32
        %mul3A_167 = arith.muli %scan3A_165, %mul3A_166 : i32
        %mul3A_168 = arith.constant 8 : i32
        %mul3A_169 = arith.muli %add3A_104, %mul3A_168 : i32
        %add3A_170 = arith.addi %mul3A_169, %scan3A_165 : i32
        %broadcast_in_dim3A = vector.broadcast %add3A_170 : i32 to vector<16xi32>
        %broadcast_in_dim3A_171 = arith.constant 0 : i32
        %broadcast_in_dim3A_172 = vector.broadcast %broadcast_in_dim3A_171 : i32 to vector<16xi32>
        %gather3A = tpu.vector_load_idx %arg10[%broadcast_in_dim3A, %broadcast_in_dim3A_172] : memref<256x8xf32, #tpu.memory_space<vmem>>[vector<16xi32>, vector<16xi32>], vector<16xf32>,
        %broadcast_in_dim3A_173 = arith.constant 1 : i32
        %broadcast_in_dim3A_174 = vector.broadcast %broadcast_in_dim3A_173 : i32 to vector<16xi32>
        %gather3A_175 = tpu.vector_load_idx %arg10[%broadcast_in_dim3A, %broadcast_in_dim3A_174] : memref<256x8xf32, #tpu.memory_space<vmem>>[vector<16xi32>, vector<16xi32>], vector<16xf32>,
        %broadcast_in_dim3A_176 = arith.constant 2 : i32
        %broadcast_in_dim3A_177 = vector.broadcast %broadcast_in_dim3A_176 : i32 to vector<16xi32>
        %gather3A_178 = tpu.vector_load_idx %arg10[%broadcast_in_dim3A, %broadcast_in_dim3A_177] : memref<256x8xf32, #tpu.memory_space<vmem>>[vector<16xi32>, vector<16xi32>], vector<16xf32>,
        %broadcast_in_dim3A_179 = arith.constant 3 : i32
        %broadcast_in_dim3A_180 = vector.broadcast %broadcast_in_dim3A_179 : i32 to vector<16xi32>
        %gather3A_181 = tpu.vector_load_idx %arg10[%broadcast_in_dim3A, %broadcast_in_dim3A_180] : memref<256x8xf32, #tpu.memory_space<vmem>>[vector<16xi32>, vector<16xi32>], vector<16xf32>,
        %broadcast_in_dim3A_182 = arith.constant 4 : i32
        %broadcast_in_dim3A_183 = vector.broadcast %broadcast_in_dim3A_182 : i32 to vector<16xi32>
        %gather3A_184 = tpu.vector_load_idx %arg10[%broadcast_in_dim3A, %broadcast_in_dim3A_183] : memref<256x8xf32, #tpu.memory_space<vmem>>[vector<16xi32>, vector<16xi32>], vector<16xf32>,
      }
      %scan3A_124 = arith.constant 8 : i32
      %dma_start3A_125 = arith.constant 0 : i32
      %dma_start3A_126 = tpu.memref_slice %arg9[%add3A_104, %dma_start3A_125] : memref<32x48xi32, #tpu.memory_space<vmem>> -> memref<1x48xi32, #tpu.memory_space<vmem>>
      %dma_start3A_127 = tpu.memref_squeeze %dma_start3A_126 : memref<1x48xi32, #tpu.memory_space<vmem>> -> memref<48xi32, #tpu.memory_space<vmem>>
      %dma_start3A_128 = arith.constant 0 : i32
      %dma_start3A_129 = arith.constant 0 : i32
      %dma_start3A_130 = tpu.memref_slice %arg15[%dma_start3A_128, %dma_start3A_129] : memref<4096x128xf32, #tpu.memory_space<vmem_shared>> -> memref<4096x128xf32, #tpu.memory_space<vmem_shared>>
      tpu.enqueue_indirect_dma source(%arg13 : memref<48x128xf32, #tpu.memory_space<vmem>>) target(%dma_start3A_130 : memref<4096x128xf32, #tpu.memory_space<vmem_shared>>) offsets(%dma_start3A_127 : memref<48xi32, #tpu.memory_space<vmem>>) semaphore(%arg18 : memref<!tpu.dma_semaphore, #tpu.memory_space<semaphore_mem>>) {add = true}
      %mul3A_131 = arith.constant 2 : i32
      %mul3A_132 = arith.muli %scan3A_100, %mul3A_131 : i32
      %add3A_133 = arith.constant 1 : i32
      %add3A_134 = arith.addi %mul3A_132, %add3A_133 : i32
      %dma_wait3A_135 = arith.constant 0 : i32
      %dma_wait3A_136 = tpu.memref_slice %arg8[%add3A_134, %dma_wait3A_135] : memref<32x48xi32, #tpu.memory_space<vmem>> -> memref<1x48xi32, #tpu.memory_space<vmem>>
      %dma_wait3A_137 = tpu.memref_squeeze %dma_wait3A_136 : memref<1x48xi32, #tpu.memory_space<vmem>> -> memref<48xi32, #tpu.memory_space<vmem>>
      %dma_wait3A_138 = arith.constant 0 : i32
      %dma_wait3A_139 = arith.constant 0 : i32
      %dma_wait3A_140 = tpu.memref_slice %arg5[%dma_wait3A_138, %dma_wait3A_139] : memref<24576x128xf32, #tpu.memory_space<hbm>> -> memref<24576x128xf32, #tpu.memory_space<hbm>>
      tpu.wait_indirect_dma semaphore(%arg17 : memref<!tpu.dma_semaphore, #tpu.memory_space<semaphore_mem>>) src(%dma_wait3A_140 : memref<24576x128xf32, #tpu.memory_space<hbm>>) dst(%arg12 : memref<48x128xf32, #tpu.memory_space<vmem>>)
      %add3A_141 = arith.constant 1 : i32
      %add3A_142 = arith.addi %add3A_134, %add3A_141 : i32
      %lt3A_143 = arith.constant 32 : i32
      %lt3A_144 = arith.cmpi slt, %add3A_142, %lt3A_143 : i32
      %convert_element_type3A_145 = arith.extui %lt3A_144 : i1 to i32
      %cond3A_146 = arith.constant 0 : i32
      %cond3A_147 = arith.cmpi ne, %convert_element_type3A_145, %cond3A_146 : i32
      scf.if %cond3A_147 {
        %add3A_165 = arith.constant 1 : i32
        %add3A_166 = arith.addi %add3A_134, %add3A_165 : i32
        %dma_start3A_167 = arith.constant 0 : i32
        %dma_start3A_168 = tpu.memref_slice %arg8[%add3A_166, %dma_start3A_167] : memref<32x48xi32, #tpu.memory_space<vmem>> -> memref<1x48xi32, #tpu.memory_space<vmem>>
        %dma_start3A_169 = tpu.memref_squeeze %dma_start3A_168 : memref<1x48xi32, #tpu.memory_space<vmem>> -> memref<48xi32, #tpu.memory_space<vmem>>
        %dma_start3A_170 = arith.constant 0 : i32
        %dma_start3A_171 = arith.constant 0 : i32
        %dma_start3A_172 = tpu.memref_slice %arg5[%dma_start3A_170, %dma_start3A_171] : memref<24576x128xf32, #tpu.memory_space<hbm>> -> memref<24576x128xf32, #tpu.memory_space<hbm>>
        tpu.enqueue_indirect_dma source(%dma_start3A_172 : memref<24576x128xf32, #tpu.memory_space<hbm>>) target(%arg11 : memref<48x128xf32, #tpu.memory_space<vmem>>) offsets(%dma_start3A_169 : memref<48xi32, #tpu.memory_space<vmem>>) semaphore(%arg16 : memref<!tpu.dma_semaphore, #tpu.memory_space<semaphore_mem>>)
      } else {
      }
      %ge3A_148 = arith.constant 2 : i32
      %ge3A_149 = arith.cmpi sge, %add3A_134, %ge3A_148 : i32
      %convert_element_type3A_150 = arith.extui %ge3A_149 : i1 to i32
      %cond3A_151 = arith.constant 0 : i32
      %cond3A_152 = arith.cmpi ne, %convert_element_type3A_150, %cond3A_151 : i32
      scf.if %cond3A_152 {
        %sub3A = arith.constant 2 : i32
        %sub3A_165 = arith.subi %add3A_134, %sub3A : i32
        %dma_wait3A_166 = arith.constant 0 : i32
        %dma_wait3A_167 = tpu.memref_slice %arg9[%sub3A_165, %dma_wait3A_166] : memref<32x48xi32, #tpu.memory_space<vmem>> -> memref<1x48xi32, #tpu.memory_space<vmem>>
        %dma_wait3A_168 = tpu.memref_squeeze %dma_wait3A_167 : memref<1x48xi32, #tpu.memory_space<vmem>> -> memref<48xi32, #tpu.memory_space<vmem>>
        %dma_wait3A_169 = arith.constant 0 : i32
        %dma_wait3A_170 = arith.constant 0 : i32
        %dma_wait3A_171 = tpu.memref_slice %arg15[%dma_wait3A_169, %dma_wait3A_170] : memref<4096x128xf32, #tpu.memory_space<vmem_shared>> -> memref<4096x128xf32, #tpu.memory_space<vmem_shared>>
        tpu.wait_indirect_dma semaphore(%arg19 : memref<!tpu.dma_semaphore, #tpu.memory_space<semaphore_mem>>) src(%arg14 : memref<48x128xf32, #tpu.memory_space<vmem>>) dst(%dma_wait3A_171 : memref<4096x128xf32, #tpu.memory_space<vmem_shared>>)
      } else {
      }
      %scan3A_153 = arith.constant 0 : i32
      %scan3A_154 = arith.constant 0 : i32
      %scan3A_155 = arith.constant 8 : i32
      %scan3A_156 = arith.addi %scan3A_154, %scan3A_155 : i32
      %scan3A_157 = arith.constant 1 : i32
      scf.for %scan3A_165 = %scan3A_154 to %scan3A_156 step %scan3A_157  : i32 {
        %mul3A_166 = arith.constant 6 : i32
        %mul3A_167 = arith.muli %scan3A_165, %mul3A_166 : i32
        %mul3A_168 = arith.constant 8 : i32
        %mul3A_169 = arith.muli %add3A_134, %mul3A_168 : i32
        %add3A_170 = arith.addi %mul3A_169, %scan3A_165 : i32
        %broadcast_in_dim3A = vector.broadcast %add3A_170 : i32 to vector<16xi32>
        %broadcast_in_dim3A_171 = arith.constant 0 : i32
        %broadcast_in_dim3A_172 = vector.broadcast %broadcast_in_dim3A_171 : i32 to vector<16xi32>
        %gather3A = tpu.vector_load_idx %arg10[%broadcast_in_dim3A, %broadcast_in_dim3A_172] : memref<256x8xf32, #tpu.memory_space<vmem>>[vector<16xi32>, vector<16xi32>], vector<16xf32>,
        %broadcast_in_dim3A_173 = arith.constant 1 : i32
        %broadcast_in_dim3A_174 = vector.broadcast %broadcast_in_dim3A_173 : i32 to vector<16xi32>
        %gather3A_175 = tpu.vector_load_idx %arg10[%broadcast_in_dim3A, %broadcast_in_dim3A_174] : memref<256x8xf32, #tpu.memory_space<vmem>>[vector<16xi32>, vector<16xi32>], vector<16xf32>,
        %broadcast_in_dim3A_176 = arith.constant 2 : i32
        %broadcast_in_dim3A_177 = vector.broadcast %broadcast_in_dim3A_176 : i32 to vector<16xi32>
        %gather3A_178 = tpu.vector_load_idx %arg10[%broadcast_in_dim3A, %broadcast_in_dim3A_177] : memref<256x8xf32, #tpu.memory_space<vmem>>[vector<16xi32>, vector<16xi32>], vector<16xf32>,
        %broadcast_in_dim3A_179 = arith.constant 3 : i32
        %broadcast_in_dim3A_180 = vector.broadcast %broadcast_in_dim3A_179 : i32 to vector<16xi32>
        %gather3A_181 = tpu.vector_load_idx %arg10[%broadcast_in_dim3A, %broadcast_in_dim3A_180] : memref<256x8xf32, #tpu.memory_space<vmem>>[vector<16xi32>, vector<16xi32>], vector<16xf32>,
        %broadcast_in_dim3A_182 = arith.constant 4 : i32
        %broadcast_in_dim3A_183 = vector.broadcast %broadcast_in_dim3A_182 : i32 to vector<16xi32>
        %gather3A_184 = tpu.vector_load_idx %arg10[%broadcast_in_dim3A, %broadcast_in_dim3A_183] : memref<256x8xf32, #tpu.memory_space<vmem>>[vector<16xi32>, vector<16xi32>], vector<16xf32>,
      }
      %scan3A_158 = arith.constant 8 : i32
      %dma_start3A_159 = arith.constant 0 : i32
      %dma_start3A_160 = tpu.memref_slice %arg9[%add3A_134, %dma_start3A_159] : memref<32x48xi32, #tpu.memory_space<vmem>> -> memref<1x48xi32, #tpu.memory_space<vmem>>
      %dma_start3A_161 = tpu.memref_squeeze %dma_start3A_160 : memref<1x48xi32, #tpu.memory_space<vmem>> -> memref<48xi32, #tpu.memory_space<vmem>>
      %dma_start3A_162 = arith.constant 0 : i32
      %dma_start3A_163 = arith.constant 0 : i32
      %dma_start3A_164 = tpu.memref_slice %arg15[%dma_start3A_162, %dma_start3A_163] : memref<4096x128xf32, #tpu.memory_space<vmem_shared>> -> memref<4096x128xf32, #tpu.memory_space<vmem_shared>>
      tpu.enqueue_indirect_dma source(%arg14 : memref<48x128xf32, #tpu.memory_space<vmem>>) target(%dma_start3A_164 : memref<4096x128xf32, #tpu.memory_space<vmem_shared>>) offsets(%dma_start3A_161 : memref<48xi32, #tpu.memory_space<vmem>>) semaphore(%arg19 : memref<!tpu.dma_semaphore, #tpu.memory_space<semaphore_mem>>) {add = true}
    }
    %scan3A_79 = arith.constant 16 : i32
    %dma_wait3A_80 = arith.constant 30 : i32
    %dma_wait3A_81 = arith.constant 0 : i32
    %dma_wait3A_82 = tpu.memref_slice %arg9[%dma_wait3A_80, %dma_wait3A_81] : memref<32x48xi32, #tpu.memory_space<vmem>> -> memref<1x48xi32, #tpu.memory_space<vmem>>
    %dma_wait3A_83 = tpu.memref_squeeze %dma_wait3A_82 : memref<1x48xi32, #tpu.memory_space<vmem>> -> memref<48xi32, #tpu.memory_space<vmem>>
    %dma_wait3A_84 = arith.constant 0 : i32
    %dma_wait3A_85 = arith.constant 0 : i32
    %dma_wait3A_86 = tpu.memref_slice %arg15[%dma_wait3A_84, %dma_wait3A_85] : memref<4096x128xf32, #tpu.memory_space<vmem_shared>> -> memref<4096x128xf32, #tpu.memory_space<vmem_shared>>
    tpu.wait_indirect_dma semaphore(%arg18 : memref<!tpu.dma_semaphore, #tpu.memory_space<semaphore_mem>>) src(%arg13 : memref<48x128xf32, #tpu.memory_space<vmem>>) dst(%dma_wait3A_86 : memref<4096x128xf32, #tpu.memory_space<vmem_shared>>)
    %dma_wait3A_87 = arith.constant 31 : i32
    %dma_wait3A_88 = arith.constant 0 : i32
    %dma_wait3A_89 = tpu.memref_slice %arg9[%dma_wait3A_87, %dma_wait3A_88] : memref<32x48xi32, #tpu.memory_space<vmem>> -> memref<1x48xi32, #tpu.memory_space<vmem>>
    %dma_wait3A_90 = tpu.memref_squeeze %dma_wait3A_89 : memref<1x48xi32, #tpu.memory_space<vmem>> -> memref<48xi32, #tpu.memory_space<vmem>>
    %dma_wait3A_91 = arith.constant 0 : i32
    %dma_wait3A_92 = arith.constant 0 : i32
    %dma_wait3A_93 = tpu.memref_slice %arg15[%dma_wait3A_91, %dma_wait3A_92] : memref<4096x128xf32, #tpu.memory_space<vmem_shared>> -> memref<4096x128xf32, #tpu.memory_space<vmem_shared>>
    tpu.wait_indirect_dma semaphore(%arg19 : memref<!tpu.dma_semaphore, #tpu.memory_space<semaphore_mem>>) src(%arg14 : memref<48x128xf32, #tpu.memory_space<vmem>>) dst(%dma_wait3A_93 : memref<4096x128xf32, #tpu.memory_space<vmem_shared>>)
    %barrier3A_94 = arith.constant 0 : index
    tpu.barrier barrier_id(%barrier3A_94)
    %mul3A_95 = arith.constant 3 : i32
    %mul3A_96 = arith.muli %arg0, %mul3A_95 : i32
    %add3A_97 = arith.constant 2 : i32
    %add3A_98 = arith.addi %mul3A_96, %add3A_97 : i32
    "tpu.region"() ({
      %run_scoped3A_100 = tpu.sem_alloc : memref<!tpu.dma_semaphore, #tpu.memory_space<semaphore_mem>>
      %dma_start3A_101 = arith.constant 0 : i32
      %dma_start3A_102 = tpu.memref_slice %arg7[%add3A_98, %mul3A_0, %dma_start3A_101] : memref<6x4096x128xf32, #tpu.memory_space<hbm>> -> memref<1x256x128xf32, #tpu.memory_space<hbm>>
      %dma_start3A_103 = tpu.memref_squeeze %dma_start3A_102 : memref<1x256x128xf32, #tpu.memory_space<hbm>> -> memref<256x128xf32, #tpu.memory_space<hbm>>
      %dma_start3A_104 = arith.constant 0 : i32
      %dma_start3A_105 = tpu.memref_slice %arg15[%mul3A_0, %dma_start3A_104] : memref<4096x128xf32, #tpu.memory_space<vmem_shared>> -> memref<256x128xf32, #tpu.memory_space<vmem_shared>>
      tpu.enqueue_dma source(%dma_start3A_105 : memref<256x128xf32, #tpu.memory_space<vmem_shared>>) target(%dma_start3A_103 : memref<256x128xf32, #tpu.memory_space<hbm>>) target_semaphore(%run_scoped3A_100 : memref<!tpu.dma_semaphore, #tpu.memory_space<semaphore_mem>>)
      %dma_wait3A_106 = arith.constant 0 : i32
      %dma_wait3A_107 = tpu.memref_slice %arg7[%add3A_98, %mul3A_0, %dma_wait3A_106] : memref<6x4096x128xf32, #tpu.memory_space<hbm>> -> memref<1x256x128xf32, #tpu.memory_space<hbm>>
      %dma_wait3A_108 = tpu.memref_squeeze %dma_wait3A_107 : memref<1x256x128xf32, #tpu.memory_space<hbm>> -> memref<256x128xf32, #tpu.memory_space<hbm>>
      %dma_wait3A_109 = arith.constant 0 : i32
      %dma_wait3A_110 = tpu.memref_slice %arg15[%mul3A_0, %dma_wait3A_109] : memref<4096x128xf32, #tpu.memory_space<vmem_shared>> -> memref<256x128xf32, #tpu.memory_space<vmem_shared>>
      tpu.wait_dma2 semaphore(%run_scoped3A_100 : memref<!tpu.dma_semaphore, #tpu.memory_space<semaphore_mem>>) src(%dma_wait3A_110 : memref<256x128xf32, #tpu.memory_space<vmem_shared>>) dst(%dma_wait3A_108 : memref<256x128xf32, #tpu.memory_space<hbm>>)
      tpu.yield
    }) : () -> ()
    %barrier3A_99 = arith.constant 0 : index
    tpu.barrier barrier_id(%barrier3A_99)
    return
  }
}

#map = affine_map<(d0, d1) -> (0, 0)>
#map1 = affine_map<(d0, d1) -> (0)>
module attributes {stable_mosaic.version = 14 : i64} {
  func.func @_scw_body(%arg0: i32, %arg1: i32, %arg2: memref<4096x8xi32, #tpu.memory_space<hbm>>, %arg3: memref<4096x8xf32, #tpu.memory_space<hbm>>, %arg4: memref<4096xf32, #tpu.memory_space<hbm>>, %arg5: memref<4096xi32, #tpu.memory_space<hbm>>, %arg6: memref<4096x8xf32, #tpu.memory_space<hbm>>, %arg7: memref<128x8xi32, #tpu.memory_space<vmem>>, %arg8: memref<128x8xf32, #tpu.memory_space<vmem>>, %arg9: memref<4096xf32, #tpu.memory_space<vmem>>, %arg10: memref<4096xi32, #tpu.memory_space<vmem>>, %arg11: memref<128x8xf32, #tpu.memory_space<vmem>>) attributes {dimension_semantics = [#tpu.dimension_semantics<core_parallel>, #tpu.dimension_semantics<subcore_parallel>], iteration_bounds = array<i64: 2, 16>, scalar_prefetch = 0 : i64, scratch_operands = 5 : i64, tpu.core_type = #tpu.core_type<sc_vector_subcore>, window_params = [{transform_indices = #map}, {transform_indices = #map}, {transform_indices = #map1}, {transform_indices = #map1}, {transform_indices = #map}]} {
    %mul3A = arith.constant 2 : i32
    %mul3A_0 = arith.muli %arg1, %mul3A : i32
    %add3A = arith.addi %mul3A_0, %arg0 : i32
    %mul3A_1 = arith.constant 128 : i32
    %mul3A_2 = arith.muli %add3A, %mul3A_1 : i32
    %iota3A = tpu.iota {dimensions = array<i32: 0>} : vector<16xi32>
    "tpu.region"() ({
      %run_scoped3A = tpu.sem_alloc : memref<!tpu.dma_semaphore, #tpu.memory_space<semaphore_mem>>
      %dma_start3A = arith.constant 0 : i32
      %dma_start3A_14 = tpu.memref_slice %arg2[%mul3A_2, %dma_start3A] : memref<4096x8xi32, #tpu.memory_space<hbm>> -> memref<128x8xi32, #tpu.memory_space<hbm>>
      %dma_start3A_15 = arith.constant 0 : i32
      %dma_start3A_16 = tpu.memref_slice %arg2[%mul3A_2, %dma_start3A_15] : memref<4096x8xi32, #tpu.memory_space<hbm>> -> memref<128x8xi32, #tpu.memory_space<hbm>>
      tpu.enqueue_dma source(%dma_start3A_16 : memref<128x8xi32, #tpu.memory_space<hbm>>) target(%arg7 : memref<128x8xi32, #tpu.memory_space<vmem>>) target_semaphore(%run_scoped3A : memref<!tpu.dma_semaphore, #tpu.memory_space<semaphore_mem>>)
      %dma_wait3A = arith.constant 0 : i32
      %dma_wait3A_17 = tpu.memref_slice %arg2[%mul3A_2, %dma_wait3A] : memref<4096x8xi32, #tpu.memory_space<hbm>> -> memref<128x8xi32, #tpu.memory_space<hbm>>
      %dma_wait3A_18 = arith.constant 0 : i32
      %dma_wait3A_19 = tpu.memref_slice %arg2[%mul3A_2, %dma_wait3A_18] : memref<4096x8xi32, #tpu.memory_space<hbm>> -> memref<128x8xi32, #tpu.memory_space<hbm>>
      tpu.wait_dma2 semaphore(%run_scoped3A : memref<!tpu.dma_semaphore, #tpu.memory_space<semaphore_mem>>) src(%dma_wait3A_19 : memref<128x8xi32, #tpu.memory_space<hbm>>) dst(%arg7 : memref<128x8xi32, #tpu.memory_space<vmem>>)
      tpu.yield
    }) : () -> ()
    "tpu.region"() ({
      %run_scoped3A = tpu.sem_alloc : memref<!tpu.dma_semaphore, #tpu.memory_space<semaphore_mem>>
      %dma_start3A = arith.constant 0 : i32
      %dma_start3A_14 = tpu.memref_slice %arg3[%mul3A_2, %dma_start3A] : memref<4096x8xf32, #tpu.memory_space<hbm>> -> memref<128x8xf32, #tpu.memory_space<hbm>>
      %dma_start3A_15 = arith.constant 0 : i32
      %dma_start3A_16 = tpu.memref_slice %arg3[%mul3A_2, %dma_start3A_15] : memref<4096x8xf32, #tpu.memory_space<hbm>> -> memref<128x8xf32, #tpu.memory_space<hbm>>
      tpu.enqueue_dma source(%dma_start3A_16 : memref<128x8xf32, #tpu.memory_space<hbm>>) target(%arg8 : memref<128x8xf32, #tpu.memory_space<vmem>>) target_semaphore(%run_scoped3A : memref<!tpu.dma_semaphore, #tpu.memory_space<semaphore_mem>>)
      %dma_wait3A = arith.constant 0 : i32
      %dma_wait3A_17 = tpu.memref_slice %arg3[%mul3A_2, %dma_wait3A] : memref<4096x8xf32, #tpu.memory_space<hbm>> -> memref<128x8xf32, #tpu.memory_space<hbm>>
      %dma_wait3A_18 = arith.constant 0 : i32
      %dma_wait3A_19 = tpu.memref_slice %arg3[%mul3A_2, %dma_wait3A_18] : memref<4096x8xf32, #tpu.memory_space<hbm>> -> memref<128x8xf32, #tpu.memory_space<hbm>>
      tpu.wait_dma2 semaphore(%run_scoped3A : memref<!tpu.dma_semaphore, #tpu.memory_space<semaphore_mem>>) src(%dma_wait3A_19 : memref<128x8xf32, #tpu.memory_space<hbm>>) dst(%arg8 : memref<128x8xf32, #tpu.memory_space<vmem>>)
      tpu.yield
    }) : () -> ()
    "tpu.region"() ({
      %run_scoped3A = tpu.sem_alloc : memref<!tpu.dma_semaphore, #tpu.memory_space<semaphore_mem>>
      tpu.enqueue_dma source(%arg4 : memref<4096xf32, #tpu.memory_space<hbm>>) target(%arg9 : memref<4096xf32, #tpu.memory_space<vmem>>) target_semaphore(%run_scoped3A : memref<!tpu.dma_semaphore, #tpu.memory_space<semaphore_mem>>)
      tpu.wait_dma2 semaphore(%run_scoped3A : memref<!tpu.dma_semaphore, #tpu.memory_space<semaphore_mem>>) src(%arg4 : memref<4096xf32, #tpu.memory_space<hbm>>) dst(%arg9 : memref<4096xf32, #tpu.memory_space<vmem>>)
      tpu.yield
    }) : () -> ()
    "tpu.region"() ({
      %run_scoped3A = tpu.sem_alloc : memref<!tpu.dma_semaphore, #tpu.memory_space<semaphore_mem>>
      tpu.enqueue_dma source(%arg5 : memref<4096xi32, #tpu.memory_space<hbm>>) target(%arg10 : memref<4096xi32, #tpu.memory_space<vmem>>) target_semaphore(%run_scoped3A : memref<!tpu.dma_semaphore, #tpu.memory_space<semaphore_mem>>)
      tpu.wait_dma2 semaphore(%run_scoped3A : memref<!tpu.dma_semaphore, #tpu.memory_space<semaphore_mem>>) src(%arg5 : memref<4096xi32, #tpu.memory_space<hbm>>) dst(%arg10 : memref<4096xi32, #tpu.memory_space<vmem>>)
      tpu.yield
    }) : () -> ()
    %scan3A = arith.constant 0 : i32
    %scan3A_3 = arith.constant 0 : i32
    %scan3A_4 = arith.constant 40 : i32
    %scan3A_5 = arith.addi %scan3A_3, %scan3A_4 : i32
    %scan3A_6 = arith.constant 1 : i32
    scf.for %scan3A_14 = %scan3A_3 to %scan3A_5 step %scan3A_6  : i32 {
      %mul3A_15 = arith.constant 16 : i32
      %mul3A_16 = arith.muli %scan3A_14, %mul3A_15 : i32
      %add3A_17 = vector.broadcast %mul3A_16 : i32 to vector<16xi32>
      %add3A_18 = arith.addi %add3A_17, %iota3A : vector<16xi32>
      %jit3A = arith.constant 5 : i32
      %div3A = vector.broadcast %jit3A : i32 to vector<16xi32>
      %div3A_19 = arith.divsi %add3A_18, %div3A : vector<16xi32>
      %sign3A = arith.constant 0 : i32
      %sign3A_20 = vector.broadcast %sign3A : i32 to vector<16xi32>
      %sign3A_21 = arith.cmpi sgt, %add3A_18, %sign3A_20 : vector<16xi32>
      %sign3A_22 = arith.extui %sign3A_21 : vector<16xi1> to vector<16xi32>
      %sign3A_23 = arith.constant 0 : i32
      %sign3A_24 = vector.broadcast %sign3A_23 : i32 to vector<16xi32>
      %sign3A_25 = arith.cmpi slt, %add3A_18, %sign3A_24 : vector<16xi32>
      %sign3A_26 = arith.extui %sign3A_25 : vector<16xi1> to vector<16xi32>
      %sign3A_27 = arith.subi %sign3A_22, %sign3A_26 : vector<16xi32>
      %sign3A_28 = arith.constant 0 : i32
      %sign3A_29 = arith.cmpi sgt, %jit3A, %sign3A_28 : i32
      %sign3A_30 = arith.extui %sign3A_29 : i1 to i32
      %sign3A_31 = arith.constant 0 : i32
      %sign3A_32 = arith.cmpi slt, %jit3A, %sign3A_31 : i32
      %sign3A_33 = arith.extui %sign3A_32 : i1 to i32
      %sign3A_34 = arith.subi %sign3A_30, %sign3A_33 : i32
      %ne3A = vector.broadcast %sign3A_34 : i32 to vector<16xi32>
      %ne3A_35 = arith.cmpi ne, %sign3A_27, %ne3A : vector<16xi32>
      %rem3A = vector.broadcast %jit3A : i32 to vector<16xi32>
      %rem3A_36 = arith.remsi %add3A_18, %rem3A : vector<16xi32>
      %ne3A_37 = arith.constant 0 : i32
      %ne3A_38 = vector.broadcast %ne3A_37 : i32 to vector<16xi32>
      %ne3A_39 = arith.cmpi ne, %rem3A_36, %ne3A_38 : vector<16xi32>
      %and3A = arith.andi %ne3A_35, %ne3A_39 : vector<16xi1>
      %sub3A = arith.constant 1 : i32
      %sub3A_40 = vector.broadcast %sub3A : i32 to vector<16xi32>
      %sub3A_41 = arith.subi %div3A_19, %sub3A_40 : vector<16xi32>
      %select_n3A = arith.select %and3A, %sub3A_41, %div3A_19 : vector<16xi1>, vector<16xi32>
      %mul3A_42 = arith.constant 5 : i32
      %mul3A_43 = vector.broadcast %mul3A_42 : i32 to vector<16xi32>
      %mul3A_44 = arith.muli %select_n3A, %mul3A_43 : vector<16xi32>
      %sub3A_45 = arith.subi %add3A_18, %mul3A_44 : vector<16xi32>
      %gather3A = tpu.vector_load_idx %arg7[%select_n3A, %sub3A_45] : memref<128x8xi32, #tpu.memory_space<vmem>>[vector<16xi32>, vector<16xi32>], vector<16xi32>,
      %gather3A_46 = tpu.vector_load_idx %arg8[%select_n3A, %sub3A_45] : memref<128x8xf32, #tpu.memory_space<vmem>>[vector<16xi32>, vector<16xi32>], vector<16xf32>,
      %gather3A_47 = tpu.vector_load_idx %arg9[%gather3A] : memref<4096xf32, #tpu.memory_space<vmem>>[vector<16xi32>], vector<16xf32>,
      %gather3A_48 = tpu.vector_load_idx %arg10[%gather3A] : memref<4096xi32, #tpu.memory_space<vmem>>[vector<16xi32>], vector<16xi32>,
      %add3A_49 = vector.broadcast %mul3A_2 : i32 to vector<16xi32>
      %add3A_50 = arith.addi %add3A_49, %select_n3A : vector<16xi32>
      %gt3A = arith.cmpf ogt, %gather3A_46, %gather3A_47 : vector<16xf32>
      %eq3A = arith.cmpf oeq, %gather3A_46, %gather3A_47 : vector<16xf32>
      %le3A = arith.cmpi sle, %add3A_50, %gather3A_48 : vector<16xi32>
      %and3A_51 = arith.andi %eq3A, %le3A : vector<16xi1>
      %or3A = arith.ori %gt3A, %and3A_51 : vector<16xi1>
      %jit3A_52 = arith.constant 5.000000e-01 : f32
      %jit3A_53 = arith.constant 1.000000e+00 : f32
      %broadcast_in_dim3A = vector.broadcast %jit3A_52 : f32 to vector<16xf32>
      %broadcast_in_dim3A_54 = vector.broadcast %jit3A_53 : f32 to vector<16xf32>
      %select_n3A_55 = arith.select %or3A, %broadcast_in_dim3A, %broadcast_in_dim3A_54 : vector<16xi1>, vector<16xf32>
      %mul3A_56 = arith.mulf %gather3A_46, %select_n3A_55 : vector<16xf32>
      tpu.vector_store_idx %arg11[%select_n3A, %sub3A_45], %mul3A_56 : memref<128x8xf32, #tpu.memory_space<vmem>>[vector<16xi32>, vector<16xi32>], vector<16xf32>,
    }
    %scan3A_7 = arith.constant 40 : i32
    %scan3A_8 = arith.constant 0 : i32
    %scan3A_9 = arith.constant 0 : i32
    %scan3A_10 = arith.constant 8 : i32
    %scan3A_11 = arith.addi %scan3A_9, %scan3A_10 : i32
    %scan3A_12 = arith.constant 1 : i32
    scf.for %scan3A_14 = %scan3A_9 to %scan3A_11 step %scan3A_12  : i32 {
      %mul3A_15 = arith.constant 16 : i32
      %mul3A_16 = arith.muli %scan3A_14, %mul3A_15 : i32
      %add3A_17 = vector.broadcast %mul3A_16 : i32 to vector<16xi32>
      %add3A_18 = arith.addi %add3A_17, %iota3A : vector<16xi32>
      %broadcast_in_dim3A = arith.constant 0.000000e+00 : f32
      %broadcast_in_dim3A_19 = vector.broadcast %broadcast_in_dim3A : f32 to vector<16xf32>
      %broadcast_in_dim3A_20 = arith.constant 5 : i32
      %broadcast_in_dim3A_21 = vector.broadcast %broadcast_in_dim3A_20 : i32 to vector<16xi32>
      tpu.vector_store_idx %arg11[%add3A_18, %broadcast_in_dim3A_21], %broadcast_in_dim3A_19 : memref<128x8xf32, #tpu.memory_space<vmem>>[vector<16xi32>, vector<16xi32>], vector<16xf32>,
      %broadcast_in_dim3A_22 = arith.constant 6 : i32
      %broadcast_in_dim3A_23 = vector.broadcast %broadcast_in_dim3A_22 : i32 to vector<16xi32>
      tpu.vector_store_idx %arg11[%add3A_18, %broadcast_in_dim3A_23], %broadcast_in_dim3A_19 : memref<128x8xf32, #tpu.memory_space<vmem>>[vector<16xi32>, vector<16xi32>], vector<16xf32>,
      %broadcast_in_dim3A_24 = arith.constant 7 : i32
      %broadcast_in_dim3A_25 = vector.broadcast %broadcast_in_dim3A_24 : i32 to vector<16xi32>
      tpu.vector_store_idx %arg11[%add3A_18, %broadcast_in_dim3A_25], %broadcast_in_dim3A_19 : memref<128x8xf32, #tpu.memory_space<vmem>>[vector<16xi32>, vector<16xi32>], vector<16xf32>,
    }
    %scan3A_13 = arith.constant 8 : i32
    "tpu.region"() ({
      %run_scoped3A = tpu.sem_alloc : memref<!tpu.dma_semaphore, #tpu.memory_space<semaphore_mem>>
      %dma_start3A = arith.constant 0 : i32
      %dma_start3A_14 = tpu.memref_slice %arg6[%mul3A_2, %dma_start3A] : memref<4096x8xf32, #tpu.memory_space<hbm>> -> memref<128x8xf32, #tpu.memory_space<hbm>>
      %dma_start3A_15 = arith.constant 0 : i32
      %dma_start3A_16 = tpu.memref_slice %arg6[%mul3A_2, %dma_start3A_15] : memref<4096x8xf32, #tpu.memory_space<hbm>> -> memref<128x8xf32, #tpu.memory_space<hbm>>
      tpu.enqueue_dma source(%arg11 : memref<128x8xf32, #tpu.memory_space<vmem>>) target(%dma_start3A_16 : memref<128x8xf32, #tpu.memory_space<hbm>>) target_semaphore(%run_scoped3A : memref<!tpu.dma_semaphore, #tpu.memory_space<semaphore_mem>>)
      %dma_wait3A = arith.constant 0 : i32
      %dma_wait3A_17 = tpu.memref_slice %arg6[%mul3A_2, %dma_wait3A] : memref<4096x8xf32, #tpu.memory_space<hbm>> -> memref<128x8xf32, #tpu.memory_space<hbm>>
      %dma_wait3A_18 = arith.constant 0 : i32
      %dma_wait3A_19 = tpu.memref_slice %arg6[%mul3A_2, %dma_wait3A_18] : memref<4096x8xf32, #tpu.memory_space<hbm>> -> memref<128x8xf32, #tpu.memory_space<hbm>>
      tpu.wait_dma2 semaphore(%run_scoped3A : memref<!tpu.dma_semaphore, #tpu.memory_space<semaphore_mem>>) src(%arg11 : memref<128x8xf32, #tpu.memory_space<vmem>>) dst(%dma_wait3A_19 : memref<128x8xf32, #tpu.memory_space<hbm>>)
      tpu.yield
    }) : () -> ()
    return
  }
}

module attributes {stable_mosaic.version = 14 : i64} {
  func.func @_topk_body(%arg0: i32, %arg1: memref<256x4096xf32, #tpu.memory_space<vmem>>, %arg2: memref<256x768xf32, #tpu.memory_space<vmem>>, %arg3: memref<256x8xi32, #tpu.memory_space<vmem>>, %arg4: memref<256x8xf32, #tpu.memory_space<vmem>>, %arg5: memref<1x1x4096xf32, #tpu.memory_space<vmem>>, %arg6: memref<6x256x128xf32, #tpu.memory_space<vmem>>) attributes {dimension_semantics = [#tpu.dimension_semantics<arbitrary>], iteration_bounds = array<i64: 16>, scalar_prefetch = 0 : i64, scratch_operands = 0 : i64, tpu.core_type = #tpu.core_type<tc>, window_params = [{transform_indices = @transform_0, window_bounds = array<i64: 256, 4096>}, {transform_indices = @transform_1, window_bounds = array<i64: 256, 768>}, {transform_indices = @transform_2, window_bounds = array<i64: 256, 8>}, {transform_indices = @transform_3, window_bounds = array<i64: 256, 8>}, {transform_indices = @transform_4, window_bounds = array<i64: 1, 1, 4096>}, {transform_indices = @transform_5, window_bounds = array<i64: 6, 256, 128>}]} {
    %get3A = arith.constant 0 : index
    %get3A_0 = arith.constant 0 : index
    %get3A_1 = vector.load %arg1[%get3A, %get3A_0] : memref<256x4096xf32, #tpu.memory_space<vmem>>, vector<256x4096xf32>
    %iota3A = tpu.iota {dimensions = array<i32: 1>} : vector<256x4096xi32>
    %reduce_max3A = arith.constant dense<0xFF800000> : vector<256xf32>
    %reduce_max3A_2 = vector.multi_reduction <maximumf>, %get3A_1, %reduce_max3A [1] : vector<256x4096xf32> to vector<256xf32>
    %broadcast_in_dim3A = vector.shape_cast %reduce_max3A_2 : vector<256xf32> to vector<256x1xf32>
    %eq3A = vector.broadcast %broadcast_in_dim3A : vector<256x1xf32> to vector<256x4096xf32>
    %eq3A_3 = arith.cmpf oeq, %get3A_1, %eq3A : vector<256x4096xf32>
    %jit3A = arith.constant 4096 : i32
    %broadcast_in_dim3A_4 = vector.broadcast %jit3A : i32 to vector<256x4096xi32>
    %select_n3A = arith.select %eq3A_3, %iota3A, %broadcast_in_dim3A_4 : vector<256x4096xi1>, vector<256x4096xi32>
    %reduce_min3A = arith.constant dense<2147483647> : vector<256xi32>
    %reduce_min3A_5 = vector.multi_reduction <minsi>, %select_n3A, %reduce_min3A [1] : vector<256x4096xi32> to vector<256xi32>
    %broadcast_in_dim3A_6 = vector.shape_cast %reduce_min3A_5 : vector<256xi32> to vector<256x1xi32>
    %eq3A_7 = vector.broadcast %broadcast_in_dim3A_6 : vector<256x1xi32> to vector<256x4096xi32>
    %eq3A_8 = arith.cmpi eq, %iota3A, %eq3A_7 : vector<256x4096xi32>
    %jit3A_9 = arith.constant 0xFF800000 : f32
    %broadcast_in_dim3A_10 = vector.broadcast %jit3A_9 : f32 to vector<256x4096xf32>
    %select_n3A_11 = arith.select %eq3A_8, %broadcast_in_dim3A_10, %get3A_1 : vector<256x4096xi1>, vector<256x4096xf32>
    %reduce_max3A_12 = arith.constant dense<0xFF800000> : vector<256xf32>
    %reduce_max3A_13 = vector.multi_reduction <maximumf>, %select_n3A_11, %reduce_max3A_12 [1] : vector<256x4096xf32> to vector<256xf32>
    %broadcast_in_dim3A_14 = vector.shape_cast %reduce_max3A_13 : vector<256xf32> to vector<256x1xf32>
    %eq3A_15 = vector.broadcast %broadcast_in_dim3A_14 : vector<256x1xf32> to vector<256x4096xf32>
    %eq3A_16 = arith.cmpf oeq, %select_n3A_11, %eq3A_15 : vector<256x4096xf32>
    %jit3A_17 = arith.constant 4096 : i32
    %broadcast_in_dim3A_18 = vector.broadcast %jit3A_17 : i32 to vector<256x4096xi32>
    %select_n3A_19 = arith.select %eq3A_16, %iota3A, %broadcast_in_dim3A_18 : vector<256x4096xi1>, vector<256x4096xi32>
    %reduce_min3A_20 = arith.constant dense<2147483647> : vector<256xi32>
    %reduce_min3A_21 = vector.multi_reduction <minsi>, %select_n3A_19, %reduce_min3A_20 [1] : vector<256x4096xi32> to vector<256xi32>
    %broadcast_in_dim3A_22 = vector.shape_cast %reduce_min3A_21 : vector<256xi32> to vector<256x1xi32>
    %eq3A_23 = vector.broadcast %broadcast_in_dim3A_22 : vector<256x1xi32> to vector<256x4096xi32>
    %eq3A_24 = arith.cmpi eq, %iota3A, %eq3A_23 : vector<256x4096xi32>
    %jit3A_25 = arith.constant 0xFF800000 : f32
    %broadcast_in_dim3A_26 = vector.broadcast %jit3A_25 : f32 to vector<256x4096xf32>
    %select_n3A_27 = arith.select %eq3A_24, %broadcast_in_dim3A_26, %select_n3A_11 : vector<256x4096xi1>, vector<256x4096xf32>
    %reduce_max3A_28 = arith.constant dense<0xFF800000> : vector<256xf32>
    %reduce_max3A_29 = vector.multi_reduction <maximumf>, %select_n3A_27, %reduce_max3A_28 [1] : vector<256x4096xf32> to vector<256xf32>
    %broadcast_in_dim3A_30 = vector.shape_cast %reduce_max3A_29 : vector<256xf32> to vector<256x1xf32>
    %eq3A_31 = vector.broadcast %broadcast_in_dim3A_30 : vector<256x1xf32> to vector<256x4096xf32>
    %eq3A_32 = arith.cmpf oeq, %select_n3A_27, %eq3A_31 : vector<256x4096xf32>
    %jit3A_33 = arith.constant 4096 : i32
    %broadcast_in_dim3A_34 = vector.broadcast %jit3A_33 : i32 to vector<256x4096xi32>
    %select_n3A_35 = arith.select %eq3A_32, %iota3A, %broadcast_in_dim3A_34 : vector<256x4096xi1>, vector<256x4096xi32>
    %reduce_min3A_36 = arith.constant dense<2147483647> : vector<256xi32>
    %reduce_min3A_37 = vector.multi_reduction <minsi>, %select_n3A_35, %reduce_min3A_36 [1] : vector<256x4096xi32> to vector<256xi32>
    %broadcast_in_dim3A_38 = vector.shape_cast %reduce_min3A_37 : vector<256xi32> to vector<256x1xi32>
    %eq3A_39 = vector.broadcast %broadcast_in_dim3A_38 : vector<256x1xi32> to vector<256x4096xi32>
    %eq3A_40 = arith.cmpi eq, %iota3A, %eq3A_39 : vector<256x4096xi32>
    %jit3A_41 = arith.constant 0xFF800000 : f32
    %broadcast_in_dim3A_42 = vector.broadcast %jit3A_41 : f32 to vector<256x4096xf32>
    %select_n3A_43 = arith.select %eq3A_40, %broadcast_in_dim3A_42, %select_n3A_27 : vector<256x4096xi1>, vector<256x4096xf32>
    %reduce_max3A_44 = arith.constant dense<0xFF800000> : vector<256xf32>
    %reduce_max3A_45 = vector.multi_reduction <maximumf>, %select_n3A_43, %reduce_max3A_44 [1] : vector<256x4096xf32> to vector<256xf32>
    %broadcast_in_dim3A_46 = vector.shape_cast %reduce_max3A_45 : vector<256xf32> to vector<256x1xf32>
    %eq3A_47 = vector.broadcast %broadcast_in_dim3A_46 : vector<256x1xf32> to vector<256x4096xf32>
    %eq3A_48 = arith.cmpf oeq, %select_n3A_43, %eq3A_47 : vector<256x4096xf32>
    %jit3A_49 = arith.constant 4096 : i32
    %broadcast_in_dim3A_50 = vector.broadcast %jit3A_49 : i32 to vector<256x4096xi32>
    %select_n3A_51 = arith.select %eq3A_48, %iota3A, %broadcast_in_dim3A_50 : vector<256x4096xi1>, vector<256x4096xi32>
    %reduce_min3A_52 = arith.constant dense<2147483647> : vector<256xi32>
    %reduce_min3A_53 = vector.multi_reduction <minsi>, %select_n3A_51, %reduce_min3A_52 [1] : vector<256x4096xi32> to vector<256xi32>
    %broadcast_in_dim3A_54 = vector.shape_cast %reduce_min3A_53 : vector<256xi32> to vector<256x1xi32>
    %eq3A_55 = vector.broadcast %broadcast_in_dim3A_54 : vector<256x1xi32> to vector<256x4096xi32>
    %eq3A_56 = arith.cmpi eq, %iota3A, %eq3A_55 : vector<256x4096xi32>
    %jit3A_57 = arith.constant 0xFF800000 : f32
    %broadcast_in_dim3A_58 = vector.broadcast %jit3A_57 : f32 to vector<256x4096xf32>
    %select_n3A_59 = arith.select %eq3A_56, %broadcast_in_dim3A_58, %select_n3A_43 : vector<256x4096xi1>, vector<256x4096xf32>
    %reduce_max3A_60 = arith.constant dense<0xFF800000> : vector<256xf32>
    %reduce_max3A_61 = vector.multi_reduction <maximumf>, %select_n3A_59, %reduce_max3A_60 [1] : vector<256x4096xf32> to vector<256xf32>
    %broadcast_in_dim3A_62 = vector.shape_cast %reduce_max3A_61 : vector<256xf32> to vector<256x1xf32>
    %eq3A_63 = vector.broadcast %broadcast_in_dim3A_62 : vector<256x1xf32> to vector<256x4096xf32>
    %eq3A_64 = arith.cmpf oeq, %select_n3A_59, %eq3A_63 : vector<256x4096xf32>
    %jit3A_65 = arith.constant 4096 : i32
    %broadcast_in_dim3A_66 = vector.broadcast %jit3A_65 : i32 to vector<256x4096xi32>
    %select_n3A_67 = arith.select %eq3A_64, %iota3A, %broadcast_in_dim3A_66 : vector<256x4096xi1>, vector<256x4096xi32>
    %reduce_min3A_68 = arith.constant dense<2147483647> : vector<256xi32>
    %reduce_min3A_69 = vector.multi_reduction <minsi>, %select_n3A_67, %reduce_min3A_68 [1] : vector<256x4096xi32> to vector<256xi32>
    %broadcast_in_dim3A_70 = vector.shape_cast %reduce_min3A_69 : vector<256xi32> to vector<256x1xi32>
    %concatenate3A = tpu.concatenate %broadcast_in_dim3A, %broadcast_in_dim3A_14, %broadcast_in_dim3A_30, %broadcast_in_dim3A_46, %broadcast_in_dim3A_62 in 1 : vector<256x1xf32>, vector<256x1xf32>, vector<256x1xf32>, vector<256x1xf32>, vector<256x1xf32> -> vector<256x5xf32>
    %concatenate3A_71 = tpu.concatenate %broadcast_in_dim3A_6, %broadcast_in_dim3A_22, %broadcast_in_dim3A_38, %broadcast_in_dim3A_54, %broadcast_in_dim3A_70 in 1 : vector<256x1xi32>, vector<256x1xi32>, vector<256x1xi32>, vector<256x1xi32>, vector<256x1xi32> -> vector<256x5xi32>
    %slice3A = vector.extract_strided_slice %concatenate3A {offsets = [0, 4], sizes = [256, 1], strides = [1, 1]} : vector<256x5xf32> to vector<256x1xf32>
    %eq3A_72 = vector.broadcast %slice3A : vector<256x1xf32> to vector<256x5xf32>
    %eq3A_73 = arith.cmpf oeq, %concatenate3A, %eq3A_72 : vector<256x5xf32>
    %jit3A_74 = arith.constant -1 : i32
    %broadcast_in_dim3A_75 = vector.broadcast %jit3A_74 : i32 to vector<256x5xi32>
    %select_n3A_76 = arith.select %eq3A_73, %concatenate3A_71, %broadcast_in_dim3A_75 : vector<256x5xi1>, vector<256x5xi32>
    %reduce_max3A_77 = arith.constant dense<-2147483648> : vector<256xi32>
    %reduce_max3A_78 = vector.multi_reduction <maxsi>, %select_n3A_76, %reduce_max3A_77 [1] : vector<256x5xi32> to vector<256xi32>
    %broadcast_in_dim3A_79 = vector.shape_cast %reduce_max3A_78 : vector<256xi32> to vector<256x1xi32>
    %broadcast_in_dim3A_80 = arith.constant 0 : i32
    %broadcast_in_dim3A_81 = vector.broadcast %broadcast_in_dim3A_80 : i32 to vector<256x2xi32>
    %broadcast_in_dim3A_82 = arith.constant 0.000000e+00 : f32
    %broadcast_in_dim3A_83 = vector.broadcast %broadcast_in_dim3A_82 : f32 to vector<256x3xf32>
    %concatenate3A_84 = tpu.concatenate %concatenate3A_71, %broadcast_in_dim3A_79, %broadcast_in_dim3A_81 in 1 : vector<256x5xi32>, vector<256x1xi32>, vector<256x2xi32> -> vector<256x8xi32>
    %swap3A = arith.constant 0 : index
    %swap3A_85 = arith.constant 0 : index
    %swap3A_86 = vector.load %arg3[%swap3A, %swap3A_85] : memref<256x8xi32, #tpu.memory_space<vmem>>, vector<256x8xi32>
    tpu.vector_store %arg3[%swap3A, %swap3A_85], %concatenate3A_84 {strides = array<i32>} : memref<256x8xi32, #tpu.memory_space<vmem>>, vector<256x8xi32>,
    %concatenate3A_87 = tpu.concatenate %concatenate3A, %broadcast_in_dim3A_83 in 1 : vector<256x5xf32>, vector<256x3xf32> -> vector<256x8xf32>
    %swap3A_88 = arith.constant 0 : index
    %swap3A_89 = arith.constant 0 : index
    %swap3A_90 = vector.load %arg4[%swap3A_88, %swap3A_89] : memref<256x8xf32, #tpu.memory_space<vmem>>, vector<256x8xf32>
    tpu.vector_store %arg4[%swap3A_88, %swap3A_89], %concatenate3A_87 {strides = array<i32>} : memref<256x8xf32, #tpu.memory_space<vmem>>, vector<256x8xf32>,
    %gt3A = vector.broadcast %slice3A : vector<256x1xf32> to vector<256x4096xf32>
    %gt3A_91 = arith.cmpf ogt, %get3A_1, %gt3A : vector<256x4096xf32>
    %eq3A_92 = vector.broadcast %slice3A : vector<256x1xf32> to vector<256x4096xf32>
    %eq3A_93 = arith.cmpf oeq, %get3A_1, %eq3A_92 : vector<256x4096xf32>
    %le3A = vector.broadcast %broadcast_in_dim3A_79 : vector<256x1xi32> to vector<256x4096xi32>
    %le3A_94 = arith.cmpi sle, %iota3A, %le3A : vector<256x4096xi32>
    %and3A = arith.andi %eq3A_93, %le3A_94 : vector<256x4096xi1>
    %or3A = arith.ori %gt3A_91, %and3A : vector<256x4096xi1>
    %jit3A_95 = arith.constant 0.000000e+00 : f32
    %broadcast_in_dim3A_96 = vector.broadcast %jit3A_95 : f32 to vector<256x4096xf32>
    %select_n3A_97 = arith.select %or3A, %get3A_1, %broadcast_in_dim3A_96 : vector<256x4096xi1>, vector<256x4096xf32>
    %reduce_sum3A = arith.constant dense<0.000000e+00> : vector<4096xf32>
    %reduce_sum3A_98 = vector.multi_reduction <add>, %select_n3A_97, %reduce_sum3A [0] : vector<256x4096xf32> to vector<4096xf32>
    %broadcast_in_dim3A_99 = vector.shape_cast %reduce_sum3A_98 : vector<4096xf32> to vector<1x4096xf32>
    %reshape3A = vector.shape_cast %broadcast_in_dim3A_99 : vector<1x4096xf32> to vector<1x1x4096xf32>
    %swap3A_100 = arith.constant 0 : index
    %swap3A_101 = arith.constant 0 : index
    %swap3A_102 = arith.constant 0 : index
    %swap3A_103 = vector.load %arg5[%swap3A_100, %swap3A_101, %swap3A_102] : memref<1x1x4096xf32, #tpu.memory_space<vmem>>, vector<1x1x4096xf32>
    tpu.vector_store %arg5[%swap3A_100, %swap3A_101, %swap3A_102], %reshape3A {strides = array<i32>} : memref<1x1x4096xf32, #tpu.memory_space<vmem>>, vector<1x1x4096xf32>,
    %get3A_104 = arith.constant 0 : index
    %get3A_105 = arith.constant 0 : index
    %get3A_106 = vector.load %arg2[%get3A_104, %get3A_105] : memref<256x768xf32, #tpu.memory_space<vmem>>, vector<256x768xf32>
    %reshape3A_107 = vector.shape_cast %get3A_106 : vector<256x768xf32> to vector<256x6x128xf32>
    %transpose3A = tpu.transpose %reshape3A_107, [1, 0, 2] : vector<256x6x128xf32> -> vector<6x256x128xf32>
    %swap3A_108 = arith.constant 0 : index
    %swap3A_109 = arith.constant 0 : index
    %swap3A_110 = arith.constant 0 : index
    %swap3A_111 = vector.load %arg6[%swap3A_108, %swap3A_109, %swap3A_110] : memref<6x256x128xf32, #tpu.memory_space<vmem>>, vector<6x256x128xf32>
    tpu.vector_store %arg6[%swap3A_108, %swap3A_109, %swap3A_110], %transpose3A {strides = array<i32>} : memref<6x256x128xf32, #tpu.memory_space<vmem>>, vector<6x256x128xf32>,
    return
  }
  func.func @transform_0(%arg0: i32) -> (i32, i32) {
    %c0_i32 = arith.constant 0 : i32
    %c0_i32_0 = arith.constant 0 : i32
    return %arg0, %c0_i32 : i32, i32
  }
  func.func @transform_1(%arg0: i32) -> (i32, i32) {
    %c0_i32 = arith.constant 0 : i32
    %c0_i32_0 = arith.constant 0 : i32
    return %arg0, %c0_i32 : i32, i32
  }
  func.func @transform_2(%arg0: i32) -> (i32, i32) {
    %c0_i32 = arith.constant 0 : i32
    %c0_i32_0 = arith.constant 0 : i32
    return %arg0, %c0_i32 : i32, i32
  }
  func.func @transform_3(%arg0: i32) -> (i32, i32) {
    %c0_i32 = arith.constant 0 : i32
    %c0_i32_0 = arith.constant 0 : i32
    return %arg0, %c0_i32 : i32, i32
  }
  func.func @transform_4(%arg0: i32) -> (i32, i32, i32) {
    %c0_i32 = arith.constant 0 : i32
    %c0_i32_0 = arith.constant 0 : i32
    %c0_i32_1 = arith.constant 0 : i32
    return %arg0, %c0_i32, %c0_i32_0 : i32, i32, i32
  }
  func.func @transform_5(%arg0: i32) -> (i32, i32, i32) {
    %c0_i32 = arith.constant 0 : i32
    %c0_i32_0 = arith.constant 0 : i32
    %c0_i32_1 = arith.constant 0 : i32
    return %c0_i32, %arg0, %c0_i32_0 : i32, i32, i32
  }
}

module attributes {stable_mosaic.version = 14 : i64} {
  func.func @_tail_body(%arg0: i32, %arg1: memref<6x256x128xf32, #tpu.memory_space<vmem>>, %arg2: memref<256x8xf32, #tpu.memory_space<vmem>>, %arg3: memref<256x8xf32, #tpu.memory_space<vmem>>, %arg4: memref<256x16xf32, #tpu.memory_space<vmem>>, %arg5: memref<256x768xf32, #tpu.memory_space<vmem>>, %arg6: memref<768x768xf32, #tpu.memory_space<vmem>>, %arg7: memref<1x768xf32, #tpu.memory_space<vmem>>, %arg8: memref<512x768xf32, #tpu.memory_space<vmem>>, %arg9: memref<1x512xf32, #tpu.memory_space<vmem>>, %arg10: memref<256x512xf32, #tpu.memory_space<vmem>>, %arg11: memref<1x256xf32, #tpu.memory_space<vmem>>, %arg12: memref<8x256xf32, #tpu.memory_space<vmem>>, %arg13: memref<1x8xf32, #tpu.memory_space<vmem>>, %arg14: memref<256x4xf32, #tpu.memory_space<vmem>>) attributes {dimension_semantics = [#tpu.dimension_semantics<arbitrary>], iteration_bounds = array<i64: 16>, scalar_prefetch = 0 : i64, scratch_operands = 0 : i64, tpu.core_type = #tpu.core_type<tc>, window_params = [{transform_indices = @transform_0, window_bounds = array<i64: 6, 256, 128>}, {transform_indices = @transform_1, window_bounds = array<i64: 256, 8>}, {transform_indices = @transform_2, window_bounds = array<i64: 256, 8>}, {transform_indices = @transform_3, window_bounds = array<i64: 256, 16>}, {transform_indices = @transform_4, window_bounds = array<i64: 256, 768>}, {pipeline_mode = #tpu.pipeline_mode<synchronous>, transform_indices = @transform_5, window_bounds = array<i64: 768, 768>}, {pipeline_mode = #tpu.pipeline_mode<synchronous>, transform_indices = @transform_6, window_bounds = array<i64: 1, 768>}, {pipeline_mode = #tpu.pipeline_mode<synchronous>, transform_indices = @transform_7, window_bounds = array<i64: 512, 768>}, {pipeline_mode = #tpu.pipeline_mode<synchronous>, transform_indices = @transform_8, window_bounds = array<i64: 1, 512>}, {pipeline_mode = #tpu.pipeline_mode<synchronous>, transform_indices = @transform_9, window_bounds = array<i64: 256, 512>}, {pipeline_mode = #tpu.pipeline_mode<synchronous>, transform_indices = @transform_10, window_bounds = array<i64: 1, 256>}, {pipeline_mode = #tpu.pipeline_mode<synchronous>, transform_indices = @transform_11, window_bounds = array<i64: 8, 256>}, {pipeline_mode = #tpu.pipeline_mode<synchronous>, transform_indices = @transform_12, window_bounds = array<i64: 1, 8>}, {transform_indices = @transform_13, window_bounds = array<i64: 256, 4>}]} {
    %get3A = arith.constant 0 : index
    %get3A_0 = arith.constant 0 : index
    %get3A_1 = vector.load %arg2[%get3A, %get3A_0] : memref<256x8xf32, #tpu.memory_space<vmem>>, vector<256x8xf32>
    %get3A_2 = arith.constant 0 : index
    %get3A_3 = arith.constant 0 : index
    %get3A_4 = vector.load %arg3[%get3A_2, %get3A_3] : memref<256x8xf32, #tpu.memory_space<vmem>>, vector<256x8xf32>
    %slice3A = vector.extract_strided_slice %get3A_1 {offsets = [0, 0], sizes = [256, 5], strides = [1, 1]} : vector<256x8xf32> to vector<256x5xf32>
    %reduce_sum3A = arith.constant dense<0.000000e+00> : vector<256xf32>
    %reduce_sum3A_5 = vector.multi_reduction <add>, %slice3A, %reduce_sum3A [1] : vector<256x5xf32> to vector<256xf32>
    %broadcast_in_dim3A = vector.shape_cast %reduce_sum3A_5 : vector<256xf32> to vector<256x1xf32>
    %slice3A_6 = vector.extract_strided_slice %get3A_4 {offsets = [0, 0], sizes = [256, 5], strides = [1, 1]} : vector<256x8xf32> to vector<256x5xf32>
    %reduce_sum3A_7 = arith.constant dense<0.000000e+00> : vector<256xf32>
    %reduce_sum3A_8 = vector.multi_reduction <add>, %slice3A_6, %reduce_sum3A_7 [1] : vector<256x5xf32> to vector<256xf32>
    %broadcast_in_dim3A_9 = vector.shape_cast %reduce_sum3A_8 : vector<256xf32> to vector<256x1xf32>
    %get3A_10 = arith.constant 0 : index
    %get3A_11 = arith.constant 0 : index
    %get3A_12 = vector.load %arg4[%get3A_10, %get3A_11] : memref<256x16xf32, #tpu.memory_space<vmem>>, vector<256x16xf32>
    %reduce_sum3A_13 = arith.constant dense<0.000000e+00> : vector<256xf32>
    %reduce_sum3A_14 = vector.multi_reduction <add>, %get3A_12, %reduce_sum3A_13 [1] : vector<256x16xf32> to vector<256xf32>
    %broadcast_in_dim3A_15 = vector.shape_cast %reduce_sum3A_14 : vector<256xf32> to vector<256x1xf32>
    %add3A = arith.constant 1.000000e+00 : f32
    %add3A_16 = vector.broadcast %add3A : f32 to vector<256x1xf32>
    %add3A_17 = arith.addf %add3A_16, %broadcast_in_dim3A_15 : vector<256x1xf32>
    %mul3A = arith.constant 2.000000e+00 : f32
    %mul3A_18 = vector.broadcast %mul3A : f32 to vector<256x1xf32>
    %mul3A_19 = arith.mulf %mul3A_18, %broadcast_in_dim3A : vector<256x1xf32>
    %add3A_20 = arith.addf %add3A_17, %mul3A_19 : vector<256x1xf32>
    %sub3A = arith.subf %add3A_20, %broadcast_in_dim3A_9 : vector<256x1xf32>
    %max3A = arith.constant 9.99999993E-9 : f32
    %max3A_21 = vector.broadcast %max3A : f32 to vector<256x1xf32>
    %max3A_22 = arith.maximumf %sub3A, %max3A_21 : vector<256x1xf32>
    %get3A_23 = arith.constant 0 : index
    %get3A_24 = arith.constant 0 : index
    %get3A_25 = arith.constant 0 : index
    %get3A_26 = vector.load %arg1[%get3A_23, %get3A_24, %get3A_25] : memref<6x256x128xf32, #tpu.memory_space<vmem>>, vector<6x256x128xf32>
    %slice3A_27 = vector.extract_strided_slice %get3A_26 {offsets = [0, 0, 0], sizes = [1, 256, 128], strides = [1, 1, 1]} : vector<6x256x128xf32> to vector<1x256x128xf32>
    %squeeze3A = vector.shape_cast %slice3A_27 : vector<1x256x128xf32> to vector<256x128xf32>
    %slice3A_28 = vector.extract_strided_slice %get3A_26 {offsets = [1, 0, 0], sizes = [1, 256, 128], strides = [1, 1, 1]} : vector<6x256x128xf32> to vector<1x256x128xf32>
    %squeeze3A_29 = vector.shape_cast %slice3A_28 : vector<1x256x128xf32> to vector<256x128xf32>
    %slice3A_30 = vector.extract_strided_slice %get3A_26 {offsets = [2, 0, 0], sizes = [1, 256, 128], strides = [1, 1, 1]} : vector<6x256x128xf32> to vector<1x256x128xf32>
    %squeeze3A_31 = vector.shape_cast %slice3A_30 : vector<1x256x128xf32> to vector<256x128xf32>
    %slice3A_32 = vector.extract_strided_slice %get3A_26 {offsets = [3, 0, 0], sizes = [1, 256, 128], strides = [1, 1, 1]} : vector<6x256x128xf32> to vector<1x256x128xf32>
    %squeeze3A_33 = vector.shape_cast %slice3A_32 : vector<1x256x128xf32> to vector<256x128xf32>
    %slice3A_34 = vector.extract_strided_slice %get3A_26 {offsets = [4, 0, 0], sizes = [1, 256, 128], strides = [1, 1, 1]} : vector<6x256x128xf32> to vector<1x256x128xf32>
    %squeeze3A_35 = vector.shape_cast %slice3A_34 : vector<1x256x128xf32> to vector<256x128xf32>
    %slice3A_36 = vector.extract_strided_slice %get3A_26 {offsets = [5, 0, 0], sizes = [1, 256, 128], strides = [1, 1, 1]} : vector<6x256x128xf32> to vector<1x256x128xf32>
    %squeeze3A_37 = vector.shape_cast %slice3A_36 : vector<1x256x128xf32> to vector<256x128xf32>
    %concatenate3A = tpu.concatenate %squeeze3A, %squeeze3A_29, %squeeze3A_31, %squeeze3A_33, %squeeze3A_35, %squeeze3A_37 in 1 : vector<256x128xf32>, vector<256x128xf32>, vector<256x128xf32>, vector<256x128xf32>, vector<256x128xf32>, vector<256x128xf32> -> vector<256x768xf32>
    %div3A = vector.broadcast %max3A_22 : vector<256x1xf32> to vector<256x768xf32>
    %div3A_38 = arith.divf %concatenate3A, %div3A : vector<256x768xf32>
    %get3A_39 = arith.constant 0 : index
    %get3A_40 = arith.constant 0 : index
    %get3A_41 = vector.load %arg5[%get3A_39, %get3A_40] : memref<256x768xf32, #tpu.memory_space<vmem>>, vector<256x768xf32>
    %get3A_42 = arith.constant 0 : index
    %get3A_43 = arith.constant 0 : index
    %get3A_44 = vector.load %arg6[%get3A_42, %get3A_43] : memref<768x768xf32, #tpu.memory_space<vmem>>, vector<768x768xf32>
    %dot_general3A = arith.constant dense<0.000000e+00> : vector<256x768xf32>
    %dot_general3A_45 = tpu.matmul %div3A_38, %get3A_44, %dot_general3A {dimension_numbers = #tpu.dot_dimension_numbers<[1], [1], [0], [0], [0, 0, 1, 0], [], []>, precision = #tpu.contract_precision<fp32>, transpose_lhs_hint = false} : vector<256x768xf32>, vector<768x768xf32>, vector<256x768xf32> -> vector<256x768xf32>
    %get3A_46 = arith.constant 0 : index
    %get3A_47 = arith.constant 0 : index
    %get3A_48 = vector.load %arg7[%get3A_46, %get3A_47] : memref<1x768xf32, #tpu.memory_space<vmem>>, vector<1x768xf32>
    %add3A_49 = vector.broadcast %get3A_48 : vector<1x768xf32> to vector<256x768xf32>
    %add3A_50 = arith.addf %dot_general3A_45, %add3A_49 : vector<256x768xf32>
    %mul3A_51 = arith.constant 5.000000e-01 : f32
    %mul3A_52 = vector.broadcast %mul3A_51 : f32 to vector<256x768xf32>
    %mul3A_53 = arith.mulf %mul3A_52, %add3A_50 : vector<256x768xf32>
    %mul3A_54 = arith.constant 0.707106769 : f32
    %mul3A_55 = vector.broadcast %mul3A_54 : f32 to vector<256x768xf32>
    %mul3A_56 = arith.mulf %add3A_50, %mul3A_55 : vector<256x768xf32>
    %erf3A = math.erf %mul3A_56 : vector<256x768xf32>
    %add3A_57 = arith.constant 1.000000e+00 : f32
    %add3A_58 = vector.broadcast %add3A_57 : f32 to vector<256x768xf32>
    %add3A_59 = arith.addf %add3A_58, %erf3A : vector<256x768xf32>
    %mul3A_60 = arith.mulf %mul3A_53, %add3A_59 : vector<256x768xf32>
    %add3A_61 = arith.addf %mul3A_60, %get3A_41 : vector<256x768xf32>
    %get3A_62 = arith.constant 0 : index
    %get3A_63 = arith.constant 0 : index
    %get3A_64 = vector.load %arg8[%get3A_62, %get3A_63] : memref<512x768xf32, #tpu.memory_space<vmem>>, vector<512x768xf32>
    %dot_general3A_65 = arith.constant dense<0.000000e+00> : vector<256x512xf32>
    %dot_general3A_66 = tpu.matmul %add3A_61, %get3A_64, %dot_general3A_65 {dimension_numbers = #tpu.dot_dimension_numbers<[1], [1], [0], [0], [0, 0, 1, 0], [], []>, precision = #tpu.contract_precision<fp32>, transpose_lhs_hint = false} : vector<256x768xf32>, vector<512x768xf32>, vector<256x512xf32> -> vector<256x512xf32>
    %get3A_67 = arith.constant 0 : index
    %get3A_68 = arith.constant 0 : index
    %get3A_69 = vector.load %arg9[%get3A_67, %get3A_68] : memref<1x512xf32, #tpu.memory_space<vmem>>, vector<1x512xf32>
    %add3A_70 = vector.broadcast %get3A_69 : vector<1x512xf32> to vector<256x512xf32>
    %add3A_71 = arith.addf %dot_general3A_66, %add3A_70 : vector<256x512xf32>
    %mul3A_72 = arith.constant 5.000000e-01 : f32
    %mul3A_73 = vector.broadcast %mul3A_72 : f32 to vector<256x512xf32>
    %mul3A_74 = arith.mulf %mul3A_73, %add3A_71 : vector<256x512xf32>
    %mul3A_75 = arith.constant 0.707106769 : f32
    %mul3A_76 = vector.broadcast %mul3A_75 : f32 to vector<256x512xf32>
    %mul3A_77 = arith.mulf %add3A_71, %mul3A_76 : vector<256x512xf32>
    %erf3A_78 = math.erf %mul3A_77 : vector<256x512xf32>
    %add3A_79 = arith.constant 1.000000e+00 : f32
    %add3A_80 = vector.broadcast %add3A_79 : f32 to vector<256x512xf32>
    %add3A_81 = arith.addf %add3A_80, %erf3A_78 : vector<256x512xf32>
    %mul3A_82 = arith.mulf %mul3A_74, %add3A_81 : vector<256x512xf32>
    %get3A_83 = arith.constant 0 : index
    %get3A_84 = arith.constant 0 : index
    %get3A_85 = vector.load %arg10[%get3A_83, %get3A_84] : memref<256x512xf32, #tpu.memory_space<vmem>>, vector<256x512xf32>
    %dot_general3A_86 = arith.constant dense<0.000000e+00> : vector<256x256xf32>
    %dot_general3A_87 = tpu.matmul %mul3A_82, %get3A_85, %dot_general3A_86 {dimension_numbers = #tpu.dot_dimension_numbers<[1], [1], [0], [0], [0, 0, 1, 0], [], []>, precision = #tpu.contract_precision<fp32>, transpose_lhs_hint = false} : vector<256x512xf32>, vector<256x512xf32>, vector<256x256xf32> -> vector<256x256xf32>
    %get3A_88 = arith.constant 0 : index
    %get3A_89 = arith.constant 0 : index
    %get3A_90 = vector.load %arg11[%get3A_88, %get3A_89] : memref<1x256xf32, #tpu.memory_space<vmem>>, vector<1x256xf32>
    %add3A_91 = vector.broadcast %get3A_90 : vector<1x256xf32> to vector<256x256xf32>
    %add3A_92 = arith.addf %dot_general3A_87, %add3A_91 : vector<256x256xf32>
    %mul3A_93 = arith.constant 5.000000e-01 : f32
    %mul3A_94 = vector.broadcast %mul3A_93 : f32 to vector<256x256xf32>
    %mul3A_95 = arith.mulf %mul3A_94, %add3A_92 : vector<256x256xf32>
    %mul3A_96 = arith.constant 0.707106769 : f32
    %mul3A_97 = vector.broadcast %mul3A_96 : f32 to vector<256x256xf32>
    %mul3A_98 = arith.mulf %add3A_92, %mul3A_97 : vector<256x256xf32>
    %erf3A_99 = math.erf %mul3A_98 : vector<256x256xf32>
    %add3A_100 = arith.constant 1.000000e+00 : f32
    %add3A_101 = vector.broadcast %add3A_100 : f32 to vector<256x256xf32>
    %add3A_102 = arith.addf %add3A_101, %erf3A_99 : vector<256x256xf32>
    %mul3A_103 = arith.mulf %mul3A_95, %add3A_102 : vector<256x256xf32>
    %get3A_104 = arith.constant 0 : index
    %get3A_105 = arith.constant 0 : index
    %get3A_106 = vector.load %arg12[%get3A_104, %get3A_105] : memref<8x256xf32, #tpu.memory_space<vmem>>, vector<8x256xf32>
    %dot_general3A_107 = arith.constant dense<0.000000e+00> : vector<256x8xf32>
    %dot_general3A_108 = tpu.matmul %mul3A_103, %get3A_106, %dot_general3A_107 {dimension_numbers = #tpu.dot_dimension_numbers<[1], [1], [0], [0], [0, 0, 1, 0], [], []>, precision = #tpu.contract_precision<fp32>, transpose_lhs_hint = false} : vector<256x256xf32>, vector<8x256xf32>, vector<256x8xf32> -> vector<256x8xf32>
    %get3A_109 = arith.constant 0 : index
    %get3A_110 = arith.constant 0 : index
    %get3A_111 = vector.load %arg13[%get3A_109, %get3A_110] : memref<1x8xf32, #tpu.memory_space<vmem>>, vector<1x8xf32>
    %add3A_112 = vector.broadcast %get3A_111 : vector<1x8xf32> to vector<256x8xf32>
    %add3A_113 = arith.addf %dot_general3A_108, %add3A_112 : vector<256x8xf32>
    %custom_jvp_call3A = arith.constant 0.000000e+00 : f32
    %max3A_114 = vector.broadcast %custom_jvp_call3A : f32 to vector<256x8xf32>
    %max3A_115 = arith.maximumf %add3A_113, %max3A_114 : vector<256x8xf32>
    %sub3A_116 = vector.broadcast %custom_jvp_call3A : f32 to vector<256x8xf32>
    %sub3A_117 = arith.subf %add3A_113, %sub3A_116 : vector<256x8xf32>
    %ne3A = arith.cmpf one, %sub3A_117, %sub3A_117 : vector<256x8xf32>
    %add3A_118 = vector.broadcast %custom_jvp_call3A : f32 to vector<256x8xf32>
    %add3A_119 = arith.addf %add3A_113, %add3A_118 : vector<256x8xf32>
    %abs3A = math.absf %sub3A_117 : vector<256x8xf32>
    %neg3A = arith.constant 0.000000e+00 : f32
    %neg3A_120 = vector.broadcast %neg3A : f32 to vector<256x8xf32>
    %neg3A_121 = arith.subf %neg3A_120, %abs3A : vector<256x8xf32>
    %exp3A = math.exp %neg3A_121 : vector<256x8xf32>
    %log1p3A = math.log1p %exp3A : vector<256x8xf32>
    %add3A_122 = arith.addf %max3A_115, %log1p3A : vector<256x8xf32>
    %select_n3A = arith.select %ne3A, %add3A_119, %add3A_122 : vector<256x8xi1>, vector<256x8xf32>
    %iota3A = tpu.iota {dimensions = array<i32: 1>} : vector<256x8xi32>
    %eq3A = arith.constant 0 : i32
    %eq3A_123 = vector.broadcast %eq3A : i32 to vector<256x8xi32>
    %eq3A_124 = arith.cmpi eq, %iota3A, %eq3A_123 : vector<256x8xi32>
    %eq3A_125 = arith.constant 2 : i32
    %eq3A_126 = vector.broadcast %eq3A_125 : i32 to vector<256x8xi32>
    %eq3A_127 = arith.cmpi eq, %iota3A, %eq3A_126 : vector<256x8xi32>
    %min3A = arith.constant 2.800000e+01 : f32
    %min3A_128 = vector.broadcast %min3A : f32 to vector<256x8xf32>
    %min3A_129 = arith.minimumf %select_n3A, %min3A_128 : vector<256x8xf32>
    %add3A_130 = arith.constant 1.010000e+00 : f32
    %add3A_131 = vector.broadcast %add3A_130 : f32 to vector<256x8xf32>
    %add3A_132 = arith.addf %min3A_129, %add3A_131 : vector<256x8xf32>
    %add3A_133 = arith.constant 9.99999997E-7 : f32
    %add3A_134 = vector.broadcast %add3A_133 : f32 to vector<256x8xf32>
    %add3A_135 = arith.addf %select_n3A, %add3A_134 : vector<256x8xf32>
    %select_n3A_136 = arith.select %eq3A_127, %add3A_132, %add3A_135 : vector<256x8xi1>, vector<256x8xf32>
    %select_n3A_137 = arith.select %eq3A_124, %add3A_113, %select_n3A_136 : vector<256x8xi1>, vector<256x8xf32>
    %slice3A_138 = vector.extract_strided_slice %select_n3A_137 {offsets = [0, 0], sizes = [256, 4], strides = [1, 1]} : vector<256x8xf32> to vector<256x4xf32>
    %swap3A = arith.constant 0 : index
    %swap3A_139 = arith.constant 0 : index
    %swap3A_140 = vector.load %arg14[%swap3A, %swap3A_139] : memref<256x4xf32, #tpu.memory_space<vmem>>, vector<256x4xf32>
    tpu.vector_store %arg14[%swap3A, %swap3A_139], %slice3A_138 {strides = array<i32>} : memref<256x4xf32, #tpu.memory_space<vmem>>, vector<256x4xf32>,
    return
  }
  func.func @transform_0(%arg0: i32) -> (i32, i32, i32) {
    %c0_i32 = arith.constant 0 : i32
    %c0_i32_0 = arith.constant 0 : i32
    %c0_i32_1 = arith.constant 0 : i32
    return %c0_i32, %arg0, %c0_i32_0 : i32, i32, i32
  }
  func.func @transform_1(%arg0: i32) -> (i32, i32) {
    %c0_i32 = arith.constant 0 : i32
    %c0_i32_0 = arith.constant 0 : i32
    return %arg0, %c0_i32 : i32, i32
  }
  func.func @transform_2(%arg0: i32) -> (i32, i32) {
    %c0_i32 = arith.constant 0 : i32
    %c0_i32_0 = arith.constant 0 : i32
    return %arg0, %c0_i32 : i32, i32
  }
  func.func @transform_3(%arg0: i32) -> (i32, i32) {
    %c0_i32 = arith.constant 0 : i32
    %c0_i32_0 = arith.constant 0 : i32
    return %arg0, %c0_i32 : i32, i32
  }
  func.func @transform_4(%arg0: i32) -> (i32, i32) {
    %c0_i32 = arith.constant 0 : i32
    %c0_i32_0 = arith.constant 0 : i32
    return %arg0, %c0_i32 : i32, i32
  }
  func.func @transform_5(%arg0: i32) -> (i32, i32) {
    %c0_i32 = arith.constant 0 : i32
    %c0_i32_0 = arith.constant 0 : i32
    %c0_i32_1 = arith.constant 0 : i32
    return %c0_i32, %c0_i32_0 : i32, i32
  }
  func.func @transform_6(%arg0: i32) -> (i32, i32) {
    %c0_i32 = arith.constant 0 : i32
    %c0_i32_0 = arith.constant 0 : i32
    %c0_i32_1 = arith.constant 0 : i32
    return %c0_i32, %c0_i32_0 : i32, i32
  }
  func.func @transform_7(%arg0: i32) -> (i32, i32) {
    %c0_i32 = arith.constant 0 : i32
    %c0_i32_0 = arith.constant 0 : i32
    %c0_i32_1 = arith.constant 0 : i32
    return %c0_i32, %c0_i32_0 : i32, i32
  }
  func.func @transform_8(%arg0: i32) -> (i32, i32) {
    %c0_i32 = arith.constant 0 : i32
    %c0_i32_0 = arith.constant 0 : i32
    %c0_i32_1 = arith.constant 0 : i32
    return %c0_i32, %c0_i32_0 : i32, i32
  }
  func.func @transform_9(%arg0: i32) -> (i32, i32) {
    %c0_i32 = arith.constant 0 : i32
    %c0_i32_0 = arith.constant 0 : i32
    %c0_i32_1 = arith.constant 0 : i32
    return %c0_i32, %c0_i32_0 : i32, i32
  }
  func.func @transform_10(%arg0: i32) -> (i32, i32) {
    %c0_i32 = arith.constant 0 : i32
    %c0_i32_0 = arith.constant 0 : i32
    %c0_i32_1 = arith.constant 0 : i32
    return %c0_i32, %c0_i32_0 : i32, i32
  }
  func.func @transform_11(%arg0: i32) -> (i32, i32) {
    %c0_i32 = arith.constant 0 : i32
    %c0_i32_0 = arith.constant 0 : i32
    %c0_i32_1 = arith.constant 0 : i32
    return %c0_i32, %c0_i32_0 : i32, i32
  }
  func.func @transform_12(%arg0: i32) -> (i32, i32) {
    %c0_i32 = arith.constant 0 : i32
    %c0_i32_0 = arith.constant 0 : i32
    %c0_i32_1 = arith.constant 0 : i32
    return %c0_i32, %c0_i32_0 : i32, i32
  }
  func.func @transform_13(%arg0: i32) -> (i32, i32) {
    %c0_i32 = arith.constant 0 : i32
    %c0_i32_0 = arith.constant 0 : i32
    return %arg0, %c0_i32 : i32, i32
  }
}

</mosaic_0001>

<sc_bundles>
// kernel: kernel.6.cloned.1.call-start
scs
__scs_entry_jumppad:
0x0: {  	(pc) =	sbr.rel $0x88, $3  }
0x1: {  	(tag) =	ssettag $0x0;
	lr =	simm.s32 $0x1  }
0x2: {  	[smem:$0x3F97] =	sst lr;
	_ =	strace $0xD0000000  }
0x3: {  	_ = 	snop  }
0x4: {  	_ = 	snop  }
0x5: {  	_ = 	snop  }
0x6: {  	_ = 	snop  }
0x7: {  	_ = 	snop  }
__scs_overlays_trampoline_lowered:
0x8: {  	[smem:$0x3FA6] =	sst s0  }
0x9: {  	[smem:$0x3FA7] =	sst s1  }
0xa: {  	[smem:$0x3FA8] =	sst s2  }
0xb: {  	[smem:$0x3FA9] =	sst s3  }
0xc: {  	[smem:$0x3FAA] =	sst s4  }
0xd: {  	[smem:$0x3FAB] =	sst s5  }
0xe: {  	[smem:$0x3FAC] =	sst s6  }
0xf: {  	[smem:$0x3FAD] =	sst s7  }
0x10: {  	[smem:$0x3FAE] =	sst s8  }
0x11: {  	[smem:$0x3FAF] =	sst s9;
	s0 =	simm.s32 @!p0 $0x0  }
0x12: {  	s1 =	sld [smem:$0x3F95];
	s0 =	simm.s32 @p0 $0x1  }
0x13: {  	[smem:$0x3FB0] =	sst s0;
	s0 =	simm.s32 @!p1 $0x0  }
0x14: {  	s2 =	sld [smem:$0x3F94];
	s0 =	simm.s32 @p1 $0x1  }
0x15: {  	[smem:$0x3FB1] =	sst s0;
	s0 =	simm.s32 @!p2 $0x0  }
0x16: {  	s3 =	sld [smem:$0x3FDB];
	s0 =	simm.s32 @p2 $0x1  }
0x17: {  	s4 =	simm.s32 $0x1BF5;
	[smem:$0x3FB3] =	sst s0  }
0x18: {  	s0 =	sld [smem:$0x3F96];
	_ =	swait.ge [sflag:s4], $0x0  }
0x19: {  	s7 =	sld [smem:$0x3F97]  }
0x1a: {  	s8 =	sadd.s32 $0xFFFFE003, lr  }
0x1b: {  	s9 =	sadd.s32 $0xFFFFFEF7, lr;
	s5 =	simm.s32 $0xFFFFFFFF;
	p2 =	slt.u32 s8, $0xFFFFF086  }
0x1c: {  	p1 =	slt.u32 s9, $0xF7A;
	s5 =	simm.s32 @!p2 $0x0  }
0x1d: {  	s5 =	simm.s32 @p1 $0x1;
	p0 =	seq.s32 s7, s2  }
0x1e: {  	s7 =	smul.u32 @!p0 $0xF7A, s2;
	p2 =	seq.s32 @!p0 s5, $0x0  }
0x1f: {  	s9 =	smul.u32 $0xF7A, s1;
	s8 =	simm.s32 @!p0 $0x1BF5;
	p2 =	por !p2, p0  }
0x20: {  	[sflag:s8] =	ssyncset.s32 @!p0 $0xFFFFF086;
	s6 =	sadd.s32 @!p0 s3, s7;
	s7 =	simm.s32 @!p0 $0x108  }
0x21: {  	s3 =	sadd.s32 s3, s9;
	s6 =	sadd.s32 @!p0 $0x88, s6;
	s7 =	simm.s32 @p2 $0x1082  }
0x22: {  	[simem:s7], [sflag:s8] =	dma.local @!p0 [hbm:s6], $0xF7A  }
0x23: {  	s9 =	sor.u32 $0xD0000000, s2;
	s6 =	simm.s32 $0x108;
	_ =	swait.ge @!p0 [sflag:s8], $0x0  }
0x24: {  	s3 =	sadd.s32 $0x88, s3;
	s6 =	simm.s32 @!p1 $0x1082;
	[sflag:s4] =	ssyncset.s32 $0xFFFFF086  }
0x25: {  	[simem:s6], [sflag:s4] =	dma.local [hbm:s3], $0xF7A  }
0x26: {  	[smem:$0x3F97] =	sst s1;
	(tag) =	ssettag s2;
	_ =	strace s9  }
0x27: {  	s1 =	sld [smem:$0x3FA7]  }
0x28: {  	s2 =	sld [smem:$0x3FA8]  }
0x29: {  	s4 =	sld [smem:$0x3FAA]  }
0x2a: {  	p0 =	seq.s32 s5, $0x0;
	s5 =	sld [smem:$0x3FAB]  }
0x2b: {  	s6 =	sld [smem:$0x3FAC]  }
0x2c: {  	s7 =	sld [smem:$0x3FAD]  }
0x2d: {  	s3 =	simm.s32 $0x108;
	s8 =	sld [smem:$0x3FAE]  }
0x2e: {  	s3 =	simm.s32 @!p0 $0x1082;
	s9 =	sld [smem:$0x3FAF]  }
0x2f: {  	lr =	sadd.s32 s0, s3;
	s0 =	sld [smem:$0x3FA6]  }
0x30: {  	s3 =	sld [smem:$0x3FA9]  }
0x31: {  	[smem:$0x3FB2] =	sst s10  }
0x32: {  	s10 =	sld [smem:$0x3FB0];
	_ =	sdelay $0x3  }
0x33: {  	p0 =	seq.s32 s10, $0x1;
	s10 =	sld [smem:$0x3FB2];
	_ =	sdelay $0x3  }
0x34: {  	[smem:$0x3FB2] =	sst s10  }
0x35: {  	s10 =	sld [smem:$0x3FB1];
	_ =	sdelay $0x3  }
0x36: {  	p1 =	seq.s32 s10, $0x1;
	s10 =	sld [smem:$0x3FB2];
	_ =	sdelay $0x3  }
0x37: {  	[smem:$0x3FB2] =	sst s10  }
0x38: {  	s10 =	sld [smem:$0x3FB3]  }
0x39: {  	_ = 	snop;
	(pc) =	sbr.ind lr, $3  }
0x3a: {  	_ = 	snop  }
0x3b: {  	_ = 	snop  }
0x3c: {  	p2 =	seq.s32 s10, $0x1;
	s10 =	sld [smem:$0x3FB2]  }
0x3d: {  	_ =	shalt  }
0x3e: {  	_ =	shalt  }
0x3f: {  	_ =	shalt  }
0x40: {  	_ =	shalt  }
0x41: {  	_ =	shalt  }
0x42: {  	_ =	shalt  }
0x43: {  	_ =	shalt  }
0x44: {  	_ =	shalt  }
0x45: {  	_ =	shalt  }
0x46: {  	_ =	shalt  }
0x47: {  	_ =	shalt  }
0x48: {  	_ =	shalt  }
0x49: {  	_ =	shalt  }
0x4a: {  	_ =	shalt  }
0x4b: {  	_ =	shalt  }
0x4c: {  	_ =	shalt  }
0x4d: {  	_ =	shalt  }
0x4e: {  	_ =	shalt  }
0x4f: {  	_ =	shalt  }
0x50: {  	_ =	shalt  }
0x51: {  	_ =	shalt  }
0x52: {  	_ =	shalt  }
0x53: {  	_ =	shalt  }
0x54: {  	_ =	shalt  }
0x55: {  	_ =	shalt  }
0x56: {  	_ =	shalt  }
0x57: {  	_ =	shalt  }
0x58: {  	_ =	shalt  }
0x59: {  	_ =	shalt  }
0x5a: {  	_ =	shalt  }
0x5b: {  	_ =	shalt  }
0x5c: {  	_ =	shalt  }
0x5d: {  	_ =	shalt  }
0x5e: {  	_ =	shalt  }
0x5f: {  	_ =	shalt  }
0x60: {  	_ =	shalt  }
0x61: {  	_ =	shalt  }
0x62: {  	_ =	shalt  }
0x63: {  	_ =	shalt  }
0x64: {  	_ =	shalt  }
0x65: {  	_ =	shalt  }
0x66: {  	_ =	shalt  }
0x67: {  	_ =	shalt  }
0x68: {  	_ =	shalt  }
0x69: {  	_ =	shalt  }
0x6a: {  	_ =	shalt  }
0x6b: {  	_ =	shalt  }
0x6c: {  	_ =	shalt  }
0x6d: {  	_ =	shalt  }
0x6e: {  	_ =	shalt  }
0x6f: {  	_ =	shalt  }
0x70: {  	_ =	shalt  }
0x71: {  	_ =	shalt  }
0x72: {  	_ =	shalt  }
0x73: {  	_ =	shalt  }
0x74: {  	_ =	shalt  }
0x75: {  	_ =	shalt  }
0x76: {  	_ =	shalt  }
0x77: {  	_ =	shalt  }
0x78: {  	_ =	shalt  }
0x79: {  	_ =	shalt  }
0x7a: {  	_ =	shalt  }
0x7b: {  	_ =	shalt  }
0x7c: {  	_ =	shalt  }
0x7d: {  	_ =	shalt  }
0x7e: {  	_ =	shalt  }
0x7f: {  	_ =	shalt  }
0x80: {  	_ =	shalt  }
0x81: {  	_ =	shalt  }
0x82: {  	_ =	shalt  }
0x83: {  	_ =	shalt  }
0x84: {  	_ =	shalt  }
0x85: {  	_ =	shalt  }
0x86: {  	_ =	shalt  }
0x87: {  	_ =	shalt  }
.Lfunc_end0:
.L_simem_size_0:
called_computation_lowered:
.L_overlay_start_0:
0x88: {  	s2 =	sld [smem:$0x3FD9]  }
0x89: {  	s3 =	sld [smem:$0x3FFE];
	_ =	sdelay $0x1  }
0x8a: {  	s1 =	srdreg.scid  }
0x8b: {  	s0 =	sand.u32 $0x1, s1  }
0x8c: {  	s17 =	sshll.u32 s0, $0xA;
	s2 =	sadd.s32 s3, s2  }
0x8d: {  	s2 =	sadd.s32 s2, s17  }
0x8e: {  	[smem:$0x3FBE] =	sst s2  }
0x8f: {  	_ = 	snop  }
0x90: {  	s2 =	sld [smem:$0x3FD0];
	(tm) =	ssettm $0x1  }
0x91: {  	s18 =	sld [smem:$0x3FFB];
	_ =	sdelay $0x3  }
0x92: {  	_ =	strace s18  }
0x93: {  	s3 =	sld [smem:$0x3FFC];
	_ =	sdelay $0x3  }
0x94: {  	_ =	strace s3  }
0x95: {  	s3 =	sld [smem:$0x3FFD];
	_ =	sdelay $0x3  }
0x96: {  	_ =	strace s3  }
0x97: {  	_ =	strace $0x8FFFFFFF  }
0x98: {  	s19 =	sld [smem:$0x3FDB];
	_ =	sdelay $0x1  }
0x99: {  	s4 =	simm.s32 $_scs_section_size  }
0x9a: {  	s5 =	simm.s32 $_size__tile_overlayer_lowered;
	s6 =	simm.s32 $_tile_overlayer_lowered  }
0x9b: {  	s22 =	simm.s32 $0x1BFF;
	s21 =	sshll.u32 s6, $0x1;
	s3 =	sadd.s32 s4, s19  }
0x9c: {  	s7 =	simm.s32 $0x0;
	s20 =	sshll.u32 s5, $0x1;
	s5 =	sadd.s32 s21, s3  }
0x9d: {  	[timem:s7], [sflag:s22] =	dma.local [hbm:s5], s20  }
0x9e: {  	_ =	swait.ge [sflag:s22], s20  }
0x9f: {  	s4 =	ssub.s32 $0x0, s20;
	[sflag:s22] =	ssyncset.done $0x0  }
0xa0: {  	[sflag:s22] =	ssyncadd.s32 s4;
	_ =	sdelay $0x1  }
0xa1: {  	s23 =	simm.s32 $0x1B8B  }
0xa2: {  	_ =	swait.ge [sflag:s23], $0x1  }
0xa3: {  	[sflag:s23] =	ssyncset.done $0x0  }
0xa4: {  	s25 =	simm.s32 $0x1B8E;
	s24 =	sld [smem:$0x3FFE];
	[sflag:s23] =	ssyncadd.s32 $0xFFFFFFFF  }
0xa5: {  	s26 =	simm.s32 $execute0_lowered;
	[smem:$0x3FD2] =	sst s25  }
0xa6: {  	s5 =	sshll.u32 s26, $0x1;
	_ =	strace $0x80000046;
	[dreg:$0x1] =	wrdreg $0xFFFFFFFF  }
0xa7: {  	s28 =	simm.s32 $_size_execute0_lowered;
	s3 =	sadd.s32 s3, s5;
	[dreg:$0x0] =	wrdreg $0x0  }
0xa8: {  	s5 =	sshll.u32 s28, $0x1;
	[dreg:$0x2] =	wrdreg s3  }
0xa9: {  	[dreg:$0x3] =	wrdreg s5  }
0xaa: {  	[dreg:$0x4] =	wrdreg $0xC0  }
0xab: {  	_ =	task [dreg:s7], $0x5FFFF  }
0xac: {  	[dreg:$0x1] =	wrdreg $0xFFFFFFFF  }
0xad: {  	[dreg:$0x0] =	wrdreg $0x60  }
0xae: {  	[dreg:$0x2] =	wrdreg s24  }
0xaf: {  	[dreg:$0x3] =	wrdreg s2  }
0xb0: {  	[dreg:$0x4] =	wrdreg $0x9  }
0xb1: {  	_ =	task.clear_ibuf [dreg:s7], $0x5FFFF;
	_ =	strace $0x90000046  }
0xb2: {  	s29 =	simm.s32 $0x9;
	_ =	strace $0x80000048  }
0xb3: {  	_ =	swait.ge [sflag:s29], $0x1  }
0xb4: {  	[sflag:s29] =	ssyncadd.s32 $0xFFFFFFFF  }
0xb5: {  	_ =	strace $0x90000048  }
0xb6: {  	_ =	sfence  }
0xb7: {  	s30 =	sld [smem:$0x0];
	_ =	sdelay $0x2  }
0xb8: {  	s31 =	sshll.u32 s1, $0xD;
	s1 =	sshrl.u32 s1, $0x2  }
0xb9: {  	s3 =	sand.u32 $0x4000, s31;
	s1 =	sadd.s32 s1, s30  }
0xba: {  	s0 =	sor.u32 s3, s0;
	s1 =	sshll.u32 s1, $0x11  }
0xbb: {  	s0 =	sor.u32 s1, s0  }
0xbc: {  	s0 =	sadd.s32 $0x8F2B, s0  }
0xbd: {  	[sflag:s0] =	ssyncadd.remote.s32 $0x1  }
0xbe: {  	_ =	sfence.sel $0xFFFF  }
0xbf: {  	[dreg:$0x0] =	wrdreg $0xFFFFFFFF;
	(pc) =	sbr.abs _section_cstart, $3  }
0xc0: {  	[dreg:$0x1] =	wrdreg $0xFFFFFFFF  }
0xc1: {  	_ =	task.clear_ibuf [dreg:s7], $0x2FFFF;
	_ =	strace $0x9FFFFFFF  }
0xc2: {  	(tm) =	ssettm $0x7FFFFFFF  }
0xc3: {  	_ =	shalt  }
tec
execute0_lowered:
.L_overlay_start_1:
0x0: {  	(tag) =	ssettag $0x1  }
0x1: {  	s1 =	srdreg.scid;
	s4 =	rddreg [dreg:$0x0]  }
0x2: {  	s0 =	stileid.u32;
	s2 =	rddreg [dreg:$0x1];
	s3 =	simm.s32 $0x0  }
0x3: {  	s10 =	simm.s32 $0x4000;
	s11 =	simm.s32 $0x8000;
	s12 =	simm.s32 $0x9000  }
0x4: {  	s13 =	simm.s32 $0xA000;
	s14 =	simm.s32 $0x0;
	s17 =	simm.s32 $0x0  }
0x5: {  	s5 =	sand.u32 $0x1, s1;
	s6 =	sshll.u32 s0, $0x8;
	s1 =	rddreg [dreg:$0x2]  }
0x6: {  	[smem:$0x7FF] =	sst s3;
	s7 =	sshll.u32 s5, $0x7;
	s5 =	ssub.s32 $0x2, s5  }
0x7: {  	_ =	strace $0x80000047;
	s9 =	sor.u32 s7, s6;
	s31 =	sshrl.u32 s5, $0x1  }
0x8: {  	s6 =	sshll.u32 s9, $0x4;
	s8 =	ssub.s32 s5, s31;
	v0 =	vmov s9;
	s9 =	simm.s32 $0x1  }
0x9: {  	v1 =	vlaneseq.u32;
	v2 =	vimm.s32 $0x0;
	s30 =	sadd.s32 s6, s4;
	s4 =	sadd.s32 $0x81E00, s4;
	s8 =	smax.u32 s8, $0x1  }
0xa: {  	v3 =	vimm.f32 $1.000000000e+00;
	v5 =	vimm.f32 $0.0e+00;
	v4 =	vmul.u32 $0x80, v1;
	s5 =	sadd.s32 $0x61E00, s30;
	s6 =	sadd.s32 $0x71E00, s30;
	s7 =	sadd.s32 $0x82000, s30  }
.LBB2_1:
0xb: {  	v7 =	vor.u32 s3, v1  }
0xc: {  	v6 =	vmulhi.u32 $0xCCCCCCCD, v7;
	_ =	sdelay $0x1  }
0xd: {  	v6 =	vshrl.u32 v6, $0x2  }
0xe: {  	[tilespmem:s3], [sflag:$0x1] =	stream.linear.gather [hbm4b:s5+s3], $0x4000, $0x38;
	v8 =	vmul.u32 $0xFFFFFFFB, v6;
	[tilespmem:$0xE000] =	vst v63  }
0xf: {  	v9 =	vmov s3;
	_ =	swait.ge [sflag:s9], $0x4000;
	v10 =	vsub.s32 $0x0, v7  }
0x10: {  	vm0 =	veq.s32 v9, v1;
	[sflag:s9] =	ssyncset.done $0x0;
	vm1 =	vne.s32 v8, v10  }
0x11: {  	[sflag:s9] =	ssyncadd.s32 $0xFFFFC000;
	vm0 =	vmand vm0, vm1  }
0x12: {  	[tilespmem:s10], [sflag:$0x1] =	stream.linear.gather [hbm4b:s6+s3], $0x4000, $0x38;
	v8 =	vsel vm0, $0xFFFFFFFF, v2;
	[tilespmem:$0xE000] =	vst v63  }
0x13: {  	_ =	swait.ge [sflag:s9], $0x4000;
	v6 =	vadd.s32 v8, v6  }
0x14: {  	[sflag:s9] =	ssyncset.done $0x0;
	v8 =	vmul.u32 $0xFFFFFFFB, v6  }
0x15: {  	[sflag:s9] =	ssyncadd.s32 $0xFFFFC000  }
0x16: {  	[tilespmem:s11], [sflag:$0x1] =	stream.linear.gather [hbm4b:s2+s3], $0x1000, $0x38;
	v7 =	vadd.s32 v7, v8;
	[tilespmem:$0xE000] =	vst v63  }
0x17: {  	_ =	swait.ge [sflag:s9], $0x1000;
	v8 =	vshll.u32 v6, $0x7;
	v9 =	vand.u32 $0xFFFFFF80, v7  }
0x18: {  	[sflag:s9] =	ssyncset.done $0x0;
	v7 =	vand.u32 $0x7F, v7;
	v8 =	vadd.s32 v8, v9  }
0x19: {  	[sflag:s9] =	ssyncadd.s32 $0xFFFFF000;
	v7 =	vor.u32 v7, v8  }
0x1a: {  	[tilespmem:s12], [sflag:$0x1] =	stream.linear.gather [hbm4b:s4+s3], $0x1000, $0x38;
	[tilespmem:$0xE000] =	vst v63  }
0x1b: {  	_ =	swait.ge [sflag:s9], $0x1000  }
0x1c: {  	[sflag:s9] =	ssyncset.done $0x0  }
0x1d: {  	[sflag:s9] =	ssyncadd.s32 $0xFFFFF000  }
0x1e: {  	s15 =	simm.s32 $0x10;
	v9 =	vld.idx.msk [tilespmem:v7+s3+$0x0], $0xffff  }
0x1f: {  	v8 =	vor.u32 s15, v1  }
0x20: {  	v10 =	vmulhi.u32 $0xCCCCCCCD, v8  }
0x21: {  	s16 =	simm.s32 $0x20  }
.LBB2_2:
0x22: {  	p0 =	sne.s32 s16, $0x270;
	v10 =	vshrl.u32 v10, $0x2  }
0x23: {  	v11 =	vmul.u32 $0xFFFFFFFB, v10  }
0x24: {  	v12 =	vmov s15;
	v13 =	vsub.s32 $0x0, v8;
	s15 =	smov.u32 s16  }
0x25: {  	vm0 =	veq.s32 v12, v1;
	vm1 =	vne.s32 v11, v13;
	v11 =	vld.idx.msk [tilespmem:v7+s10+$0x0], $0xffff  }
0x26: {  	vm0 =	vmand vm0, vm1;
	v12 =	vld.idx.msk [tilespmem:v9+s11+$0x0], $0xffff  }
0x27: {  	v13 =	vsel vm0, $0xFFFFFFFF, v2;
	v9 =	vld.idx.msk [tilespmem:v9+s12+$0x0], $0xffff  }
0x28: {  	v10 =	vadd.s32 v13, v10  }
0x29: {  	v13 =	vmul.u32 $0xFFFFFFFB, v10;
	_ =	sdelay $0x1  }
0x2a: {  	v8 =	vadd.s32 v8, v13  }
0x2b: {  	v15 =	vadd.s32 v0, v6;
	v14 =	vshll.u32 v10, $0x7;
	v6 =	vmovc v10;
	v13 =	vand.u32 $0x7F, v8  }
0x2c: {  	vm0 =	veq.f32 v11, v12;
	v8 =	vand.u32 $0xFFFFFF80, v8;
	vm1 =	vle.s32 v15, v9  }
0x2d: {  	vm2 =	vgt.f32 v11, v12;
	v8 =	vadd.s32 v14, v8;
	vm0 =	vmand vm0, vm1  }
0x2e: {  	v8 =	vor.u32 v13, v8;
	vm0 =	vmor vm2, vm0  }
0x2f: {  	v9 =	vsel vm0, $0x3F000000, v3  }
0x30: {  	v9 =	vmul.f32 v9, v11;
	_ =	sdelay $0x1  }
.Ltmp0:
0x31: {  	[tilespmem:v7+s13+$0x0] =	vst.idx.msk $0xffff, v9;
	v7 =	vmov v8;
	(pc) =	sbr.rel @p0 .LBB2_2-.Ltmp0, $4  }
0x32: {  	v9 =	vld.idx.msk [tilespmem:v8+s17+$0x0], $0xffff  }
0x33: {  	v8 =	vor.u32 s16, v1  }
0x34: {  	v10 =	vmulhi.u32 $0xCCCCCCCD, v8  }
0x35: {  	s16 =	sadd.s32 $0x10, s16  }
0x36: {  	_ =	sdelay $0x1  }
0x37: {  	v10 =	vshrl.u32 v10, $0x2  }
0x38: {  	v11 =	vmul.u32 $0xFFFFFFFB, v10  }
0x39: {  	v12 =	vmov s15;
	v13 =	vsub.s32 $0x0, v8  }
0x3a: {  	vm0 =	veq.s32 v12, v1;
	v62 =	vld.idx.msk [tilespmem:v9+s11+$0x0], $0xffff;
	vm1 =	vne.s32 v11, v13  }
0x3b: {  	v9 =	vld.idx.msk [tilespmem:v9+s12+$0x0], $0xffff;
	vm0 =	vmand vm0, vm1  }
0x3c: {  	v11 =	vld.idx.msk [tilespmem:v7+s10+$0x0], $0xffff;
	v63 =	vsel vm0, $0xFFFFFFFF, v2  }
0x3d: {  	v10 =	vadd.s32 v63, v10  }
0x3e: {  	v13 =	vmul.u32 $0xFFFFFFFB, v10  }
0x3f: {  	v6 =	vadd.s32 v0, v6  }
0x40: {  	vm12 =	vle.s32 v6, v9;
	v14 =	vshll.u32 v10, $0x7;
	v8 =	vadd.s32 v8, v13  }
0x41: {  	vm11 =	veq.f32 v11, v62;
	v13 =	vand.u32 $0x7F, v8;
	v8 =	vand.u32 $0xFFFFFF80, v8  }
0x42: {  	vm2 =	vgt.f32 v11, v62;
	vm0 =	vmand vm11, vm12;
	v6 =	vadd.s32 v14, v8  }
0x43: {  	vm0 =	vmor vm2, vm0;
	v6 =	vor.u32 v13, v6  }
0x44: {  	v8 =	vsel vm0, $0x3F000000, v3  }
0x45: {  	v8 =	vmul.f32 v8, v11;
	_ =	sdelay $0x1  }
0x46: {  	[tilespmem:v7+s13+$0x0] =	vst.idx.msk $0xffff, v8  }
0x47: {  	v7 =	vld.idx.msk [tilespmem:v6+s17+$0x0], $0xffff;
	_ =	sdelay $0x6  }
0x48: {  	v8 =	vld.idx.msk [tilespmem:v6+s10+$0x0], $0xffff  }
0x49: {  	v9 =	vld.idx.msk [tilespmem:v7+s11+$0x0], $0xffff  }
0x4a: {  	v7 =	vld.idx.msk [tilespmem:v7+s12+$0x0], $0xffff;
	_ =	sdelay $0x3  }
0x4b: {  	v10 =	vadd.s32 v0, v10  }
0x4c: {  	vm13 =	veq.f32 v8, v9;
	vm14 =	vle.s32 v10, v7  }
0x4d: {  	vm15 =	vgt.f32 v8, v9;
	vm0 =	vmand vm13, vm14  }
0x4e: {  	vm0 =	vmor vm15, vm0  }
0x4f: {  	p0 =	por $0x1, $0x1;
	v9 =	vmov s17;
	v7 =	vsel vm0, $0x3F000000, v3  }
.Ltmp1:
0x50: {  	v7 =	vmul.f32 v7, v8;
	v8 =	vshll.u32 v9, $0x7;
	(pc) =	sbr.rel @!p0 .LBB2_5-.Ltmp1, $4  }
0x51: {  	v8 =	vor.u32 v4, v8  }
0x52: {  	[tilespmem:v6+s13+$0x0] =	vst.idx.msk $0xffff, v7;
	v6 =	vor.u32 $0x5, v8  }
0x53: {  	v7 =	vor.u32 $0x6, v8  }
0x54: {  	s15 =	simm.s32 $0x10;
	v8 =	vor.u32 $0x7, v8  }
.LBB2_4:
0x55: {  	v9 =	vmov s15;
	p0 =	sne.s32 s15, $0x70  }
.Ltmp2:
0x56: {  	v9 =	vshll.u32 v9, $0x7;
	(pc) =	sbr.rel @p0 .LBB2_4-.Ltmp2, $4  }
0x57: {  	s15 =	sadd.s32 $0x10, s15;
	v9 =	vor.u32 v4, v9;
	[tilespmem:v6+s13+$0x0] =	vst.idx.msk $0xffff, v5  }
0x58: {  	v6 =	vor.u32 $0x5, v9;
	[tilespmem:v7+s13+$0x0] =	vst.idx.msk $0xffff, v5  }
0x59: {  	v7 =	vor.u32 $0x6, v9;
	[tilespmem:v8+s13+$0x0] =	vst.idx.msk $0xffff, v5  }
0x5a: {  	v8 =	vor.u32 $0x7, v9  }
.LBB2_5:
0x5b: {  	_ =	sdelay $0x3  }
0x5c: {  	[tilespmem:v6+s13+$0x0] =	vst.idx.msk $0xffff, v5;
	s14 =	sadd.s32 $0x1, s14  }
0x5d: {  	[tilespmem:v7+s13+$0x0] =	vst.idx.msk $0xffff, v5;
	p0 =	sne.s32 s14, s8  }
.Ltmp3:
0x5e: {  	[tilespmem:v8+s13+$0x0] =	vst.idx.msk $0xffff, v5;
	(pc) =	sbr.rel @p0 .LBB2_1-.Ltmp3, $4  }
0x5f: {  	[hbm4b:s7+s3] =	stream.linear.scatter [tilespmem:s13], [sflag:$0x1], $0x4000, $0x38;
	[tilespmem:$0xE000] =	vst v63  }
0x60: {  	_ =	swait.ge [sflag:s9], $0x4000  }
0x61: {  	[sflag:s9] =	ssyncset.done $0x0  }
0x62: {  	[sflag:s9] =	ssyncadd.s32 $0xFFFFC000  }
0x63: {  	_ =	sfence.sel $0x180000  }
0x64: {  	[bflag:$0x0] =	sbarrier.arrive $0xFFFF  }
0x65: {  	p0 =	sne.s32 s0, $0x0;
	_ =	strace $0x90000047  }
0x66: {  	s0 =	sadd.s32 @!p0 $0x100000, s1;
	[bflag:$0x2] =	sbarrier.arrive $0xFFFF  }
0x67: {  	[sflag:s0] =	ssyncadd.tile.s32 @!p0 $0x1;
	_ =	shalt  }
.Lfunc_end2:
_tile_overlayer_lowered:
.L_overlay_start_2:
0x68: {  	(tag) =	ssettag $0x2  }
0x69: {  	s0 =	rddreg [dreg:$0x0];
	s2 =	stileid.u32  }
0x6a: {  	s1 =	rddreg [dreg:$0x1];
	p0 =	sne.s32 s2, $0x0  }
0x6b: {  	s3 =	rddreg [dreg:$0x2];
	[bflag:$0x3] =	sbarrier.arrive $0xFFFF;
	s2 =	simm.s32 @!p0 $0x1C01  }
0x6c: {  	[timem:s3], [sflag:s2] =	dma.local @!p0 [hbm:s0], s1  }
0x6d: {  	s0 =	simm.s32 @!p0 $0x1  }
0x6e: {  	_ =	swait.ge @!p0 [sflag:s0], s1  }
0x6f: {  	s1 =	ssub.s32 @!p0 $0x0, s1;
	[sflag:s0] =	ssyncset.done @!p0 $0x0  }
0x70: {  	[sflag:s0] =	ssyncadd.s32 @!p0 s1  }
0x71: {  	[bflag:$0x3] =	sbarrier.arrive $0xFFFF  }
0x72: {  	_ =	shalt  }

// kernel: kernel.9.cloned.1.call-start
scs
__scs_entry_jumppad:
0x0: {  	(pc) =	sbr.rel $0x88, $3  }
0x1: {  	(tag) =	ssettag $0x0;
	lr =	simm.s32 $0x1  }
0x2: {  	[smem:$0x3F97] =	sst lr;
	_ =	strace $0xD0000000  }
0x3: {  	_ = 	snop  }
0x4: {  	_ = 	snop  }
0x5: {  	_ = 	snop  }
0x6: {  	_ = 	snop  }
0x7: {  	_ = 	snop  }
__scs_overlays_trampoline_lowered:
0x8: {  	[smem:$0x3FA6] =	sst s0  }
0x9: {  	[smem:$0x3FA7] =	sst s1  }
0xa: {  	[smem:$0x3FA8] =	sst s2  }
0xb: {  	[smem:$0x3FA9] =	sst s3  }
0xc: {  	[smem:$0x3FAA] =	sst s4  }
0xd: {  	[smem:$0x3FAB] =	sst s5  }
0xe: {  	[smem:$0x3FAC] =	sst s6  }
0xf: {  	[smem:$0x3FAD] =	sst s7  }
0x10: {  	[smem:$0x3FAE] =	sst s8  }
0x11: {  	[smem:$0x3FAF] =	sst s9;
	s0 =	simm.s32 @!p0 $0x0  }
0x12: {  	s1 =	sld [smem:$0x3F95];
	s0 =	simm.s32 @p0 $0x1  }
0x13: {  	[smem:$0x3FB0] =	sst s0;
	s0 =	simm.s32 @!p1 $0x0  }
0x14: {  	s2 =	sld [smem:$0x3F94];
	s0 =	simm.s32 @p1 $0x1  }
0x15: {  	[smem:$0x3FB1] =	sst s0;
	s0 =	simm.s32 @!p2 $0x0  }
0x16: {  	s3 =	sld [smem:$0x3FDB];
	s0 =	simm.s32 @p2 $0x1  }
0x17: {  	s4 =	simm.s32 $0x1BF5;
	[smem:$0x3FB3] =	sst s0  }
0x18: {  	s0 =	sld [smem:$0x3F96];
	_ =	swait.ge [sflag:s4], $0x0  }
0x19: {  	s7 =	sld [smem:$0x3F97]  }
0x1a: {  	s8 =	sadd.s32 $0xFFFFE003, lr  }
0x1b: {  	s9 =	sadd.s32 $0xFFFFFEF7, lr;
	s5 =	simm.s32 $0xFFFFFFFF;
	p2 =	slt.u32 s8, $0xFFFFF086  }
0x1c: {  	p1 =	slt.u32 s9, $0xF7A;
	s5 =	simm.s32 @!p2 $0x0  }
0x1d: {  	s5 =	simm.s32 @p1 $0x1;
	p0 =	seq.s32 s7, s2  }
0x1e: {  	s7 =	smul.u32 @!p0 $0xF7A, s2;
	p2 =	seq.s32 @!p0 s5, $0x0  }
0x1f: {  	s9 =	smul.u32 $0xF7A, s1;
	s8 =	simm.s32 @!p0 $0x1BF5;
	p2 =	por !p2, p0  }
0x20: {  	[sflag:s8] =	ssyncset.s32 @!p0 $0xFFFFF086;
	s6 =	sadd.s32 @!p0 s3, s7;
	s7 =	simm.s32 @!p0 $0x108  }
0x21: {  	s3 =	sadd.s32 s3, s9;
	s6 =	sadd.s32 @!p0 $0x88, s6;
	s7 =	simm.s32 @p2 $0x1082  }
0x22: {  	[simem:s7], [sflag:s8] =	dma.local @!p0 [hbm:s6], $0xF7A  }
0x23: {  	s9 =	sor.u32 $0xD0000000, s2;
	s6 =	simm.s32 $0x108;
	_ =	swait.ge @!p0 [sflag:s8], $0x0  }
0x24: {  	s3 =	sadd.s32 $0x88, s3;
	s6 =	simm.s32 @!p1 $0x1082;
	[sflag:s4] =	ssyncset.s32 $0xFFFFF086  }
0x25: {  	[simem:s6], [sflag:s4] =	dma.local [hbm:s3], $0xF7A  }
0x26: {  	[smem:$0x3F97] =	sst s1;
	(tag) =	ssettag s2;
	_ =	strace s9  }
0x27: {  	s1 =	sld [smem:$0x3FA7]  }
0x28: {  	s2 =	sld [smem:$0x3FA8]  }
0x29: {  	s4 =	sld [smem:$0x3FAA]  }
0x2a: {  	p0 =	seq.s32 s5, $0x0;
	s5 =	sld [smem:$0x3FAB]  }
0x2b: {  	s6 =	sld [smem:$0x3FAC]  }
0x2c: {  	s7 =	sld [smem:$0x3FAD]  }
0x2d: {  	s3 =	simm.s32 $0x108;
	s8 =	sld [smem:$0x3FAE]  }
0x2e: {  	s3 =	simm.s32 @!p0 $0x1082;
	s9 =	sld [smem:$0x3FAF]  }
0x2f: {  	lr =	sadd.s32 s0, s3;
	s0 =	sld [smem:$0x3FA6]  }
0x30: {  	s3 =	sld [smem:$0x3FA9]  }
0x31: {  	[smem:$0x3FB2] =	sst s10  }
0x32: {  	s10 =	sld [smem:$0x3FB0];
	_ =	sdelay $0x3  }
0x33: {  	p0 =	seq.s32 s10, $0x1;
	s10 =	sld [smem:$0x3FB2];
	_ =	sdelay $0x3  }
0x34: {  	[smem:$0x3FB2] =	sst s10  }
0x35: {  	s10 =	sld [smem:$0x3FB1];
	_ =	sdelay $0x3  }
0x36: {  	p1 =	seq.s32 s10, $0x1;
	s10 =	sld [smem:$0x3FB2];
	_ =	sdelay $0x3  }
0x37: {  	[smem:$0x3FB2] =	sst s10  }
0x38: {  	s10 =	sld [smem:$0x3FB3]  }
0x39: {  	_ = 	snop;
	(pc) =	sbr.ind lr, $3  }
0x3a: {  	_ = 	snop  }
0x3b: {  	_ = 	snop  }
0x3c: {  	p2 =	seq.s32 s10, $0x1;
	s10 =	sld [smem:$0x3FB2]  }
0x3d: {  	_ =	shalt  }
0x3e: {  	_ =	shalt  }
0x3f: {  	_ =	shalt  }
0x40: {  	_ =	shalt  }
0x41: {  	_ =	shalt  }
0x42: {  	_ =	shalt  }
0x43: {  	_ =	shalt  }
0x44: {  	_ =	shalt  }
0x45: {  	_ =	shalt  }
0x46: {  	_ =	shalt  }
0x47: {  	_ =	shalt  }
0x48: {  	_ =	shalt  }
0x49: {  	_ =	shalt  }
0x4a: {  	_ =	shalt  }
0x4b: {  	_ =	shalt  }
0x4c: {  	_ =	shalt  }
0x4d: {  	_ =	shalt  }
0x4e: {  	_ =	shalt  }
0x4f: {  	_ =	shalt  }
0x50: {  	_ =	shalt  }
0x51: {  	_ =	shalt  }
0x52: {  	_ =	shalt  }
0x53: {  	_ =	shalt  }
0x54: {  	_ =	shalt  }
0x55: {  	_ =	shalt  }
0x56: {  	_ =	shalt  }
0x57: {  	_ =	shalt  }
0x58: {  	_ =	shalt  }
0x59: {  	_ =	shalt  }
0x5a: {  	_ =	shalt  }
0x5b: {  	_ =	shalt  }
0x5c: {  	_ =	shalt  }
0x5d: {  	_ =	shalt  }
0x5e: {  	_ =	shalt  }
0x5f: {  	_ =	shalt  }
0x60: {  	_ =	shalt  }
0x61: {  	_ =	shalt  }
0x62: {  	_ =	shalt  }
0x63: {  	_ =	shalt  }
0x64: {  	_ =	shalt  }
0x65: {  	_ =	shalt  }
0x66: {  	_ =	shalt  }
0x67: {  	_ =	shalt  }
0x68: {  	_ =	shalt  }
0x69: {  	_ =	shalt  }
0x6a: {  	_ =	shalt  }
0x6b: {  	_ =	shalt  }
0x6c: {  	_ =	shalt  }
0x6d: {  	_ =	shalt  }
0x6e: {  	_ =	shalt  }
0x6f: {  	_ =	shalt  }
0x70: {  	_ =	shalt  }
0x71: {  	_ =	shalt  }
0x72: {  	_ =	shalt  }
0x73: {  	_ =	shalt  }
0x74: {  	_ =	shalt  }
0x75: {  	_ =	shalt  }
0x76: {  	_ =	shalt  }
0x77: {  	_ =	shalt  }
0x78: {  	_ =	shalt  }
0x79: {  	_ =	shalt  }
0x7a: {  	_ =	shalt  }
0x7b: {  	_ =	shalt  }
0x7c: {  	_ =	shalt  }
0x7d: {  	_ =	shalt  }
0x7e: {  	_ =	shalt  }
0x7f: {  	_ =	shalt  }
0x80: {  	_ =	shalt  }
0x81: {  	_ =	shalt  }
0x82: {  	_ =	shalt  }
0x83: {  	_ =	shalt  }
0x84: {  	_ =	shalt  }
0x85: {  	_ =	shalt  }
0x86: {  	_ =	shalt  }
0x87: {  	_ =	shalt  }
.Lfunc_end0:
.L_simem_size_0:
called_computation.1_lowered:
.L_overlay_start_0:
0x88: {  	s2 =	sld [smem:$0x3FD9]  }
0x89: {  	s3 =	sld [smem:$0x3FFE];
	_ =	sdelay $0x1  }
0x8a: {  	s1 =	srdreg.scid  }
0x8b: {  	s0 =	sand.u32 $0x1, s1  }
0x8c: {  	s16 =	sshll.u32 s0, $0xA;
	s2 =	sadd.s32 s3, s2  }
0x8d: {  	s2 =	sadd.s32 s2, s16  }
0x8e: {  	[smem:$0x3FBE] =	sst s2  }
0x8f: {  	_ = 	snop  }
0x90: {  	(tm) =	ssettm $0x1  }
0x91: {  	s17 =	sld [smem:$0x3FFB];
	_ =	sdelay $0x3  }
0x92: {  	_ =	strace s17  }
0x93: {  	s2 =	sld [smem:$0x3FFC];
	_ =	sdelay $0x3  }
0x94: {  	_ =	strace s2  }
0x95: {  	s2 =	sld [smem:$0x3FFD];
	_ =	sdelay $0x3  }
0x96: {  	_ =	strace s2  }
0x97: {  	_ =	strace $0x8FFFFFFF  }
0x98: {  	s18 =	sld [smem:$0x3FDB];
	_ =	sdelay $0x1  }
0x99: {  	s19 =	simm.s32 $_scs_section_size  }
0x9a: {  	s4 =	simm.s32 $_size__tile_overlayer_lowered;
	s5 =	simm.s32 $_tile_overlayer_lowered  }
0x9b: {  	s22 =	simm.s32 $0x1BFF;
	s21 =	sshll.u32 s5, $0x1;
	s2 =	sadd.s32 s19, s18  }
0x9c: {  	s6 =	simm.s32 $0x0;
	s20 =	sshll.u32 s4, $0x1;
	s4 =	sadd.s32 s21, s2  }
0x9d: {  	[timem:s6], [sflag:s22] =	dma.local [hbm:s4], s20  }
0x9e: {  	_ =	swait.ge [sflag:s22], s20  }
0x9f: {  	s3 =	ssub.s32 $0x0, s20;
	[sflag:s22] =	ssyncset.done $0x0  }
0xa0: {  	[sflag:s22] =	ssyncadd.s32 s3;
	_ =	sdelay $0x1  }
0xa1: {  	s23 =	simm.s32 $0x1B8B  }
0xa2: {  	_ =	swait.ge [sflag:s23], $0x1  }
0xa3: {  	[sflag:s23] =	ssyncset.done $0x0  }
0xa4: {  	s25 =	simm.s32 $0x1B8E;
	s24 =	sld [smem:$0x3FFE];
	[sflag:s23] =	ssyncadd.s32 $0xFFFFFFFF  }
0xa5: {  	s26 =	simm.s32 $execute0_lowered;
	[smem:$0x3FD2] =	sst s25  }
0xa6: {  	s4 =	sshll.u32 s26, $0x1;
	_ =	strace $0x80000049;
	[dreg:$0x1] =	wrdreg $0xFFFFFFFF  }
0xa7: {  	s28 =	simm.s32 $_size_execute0_lowered;
	s2 =	sadd.s32 s2, s4;
	[dreg:$0x0] =	wrdreg $0x0  }
0xa8: {  	s4 =	sshll.u32 s28, $0x1;
	[dreg:$0x2] =	wrdreg s2  }
0xa9: {  	[dreg:$0x3] =	wrdreg s4  }
0xaa: {  	[dreg:$0x4] =	wrdreg $0xC0  }
0xab: {  	_ =	task [dreg:s6], $0x5FFFF  }
0xac: {  	[dreg:$0x1] =	wrdreg $0xFFFFFFFF  }
0xad: {  	[dreg:$0x0] =	wrdreg $0x60  }
0xae: {  	[dreg:$0x2] =	wrdreg s24  }
0xaf: {  	[dreg:$0x3] =	wrdreg $0x100000  }
0xb0: {  	[dreg:$0x4] =	wrdreg $0x9  }
0xb1: {  	_ =	task.clear_ibuf [dreg:s6], $0x5FFFF;
	_ =	strace $0x90000049  }
0xb2: {  	s29 =	simm.s32 $0x9;
	_ =	strace $0x8000004B  }
0xb3: {  	_ =	swait.ge [sflag:s29], $0x1  }
0xb4: {  	[sflag:s29] =	ssyncadd.s32 $0xFFFFFFFF  }
0xb5: {  	_ =	strace $0x9000004B  }
0xb6: {  	_ =	sfence  }
0xb7: {  	s30 =	sld [smem:$0x0];
	_ =	sdelay $0x2  }
0xb8: {  	s31 =	sshll.u32 s1, $0xD;
	s1 =	sshrl.u32 s1, $0x2  }
0xb9: {  	s3 =	sand.u32 $0x4000, s31;
	s1 =	sadd.s32 s1, s30  }
0xba: {  	s0 =	sor.u32 s3, s0;
	s1 =	sshll.u32 s1, $0x11  }
0xbb: {  	s0 =	sor.u32 s1, s0  }
0xbc: {  	s0 =	sadd.s32 $0x8F2B, s0  }
0xbd: {  	[sflag:s0] =	ssyncadd.remote.s32 $0x1  }
0xbe: {  	_ =	sfence.sel $0xFFFF  }
0xbf: {  	[dreg:$0x0] =	wrdreg $0xFFFFFFFF;
	(pc) =	sbr.abs _section_cstart, $3  }
0xc0: {  	[dreg:$0x1] =	wrdreg $0xFFFFFFFF  }
0xc1: {  	_ =	task.clear_ibuf [dreg:s6], $0x2FFFF;
	_ =	strace $0x9FFFFFFF  }
0xc2: {  	(tm) =	ssettm $0x7FFFFFFF  }
0xc3: {  	_ =	shalt  }
tec
execute0_lowered:
.L_overlay_start_1:
0x0: {  	(tag) =	ssettag $0x1  }
0x1: {  	s0 =	srdreg.scid  }
0x2: {  	s1 =	rddreg [dreg:$0x0];
	s17 =	stileid.u32  }
0x3: {  	s2 =	rddreg [dreg:$0x1];
	s3 =	simm.s32 $0x0;
	s15 =	simm.s32 $0x1000  }
0x4: {  	s16 =	simm.s32 $0x5;
	s28 =	simm.s32 $0x100;
	s29 =	simm.s32 $0x1080  }
0x5: {  	s30 =	simm.s32 $0xE800;
	s31 =	simm.s32 $0x3;
	s0 =	sand.u32 $0x1, s0  }
0x6: {  	s5 =	sshll.u32 s17, $0xC;
	[smem:$0x7FF] =	sst s3;
	s19 =	sshll.u32 s17, $0x9  }
0x7: {  	s11 =	sshll.u32 s17, $0xF;
	s26 =	sshll.u32 s17, $0x6;
	s17 =	simm.s32 $0x1F00  }
0x8: {  	s4 =	smul.u32 $0x30000, s0;
	_ =	strace $0x8000004A;
	s7 =	sadd.s32 s19, s1  }
0x9: {  	s8 =	sadd.s32 s5, s1;
	s9 =	ssub.s32 $0x2, s0;
	s0 =	smul.u32 $0x180000, s0  }
0xa: {  	s23 =	sadd.s32 s11, s2;
	s18 =	sor.u32 $0x1C05, s26;
	s26 =	simm.s32 $0x2  }
0xb: {  	s10 =	sshrl.u32 s9, $0x1;
	s7 =	sadd.s32 $0x92000, s7;
	s20 =	sadd.s32 $0x82000, s8  }
0xc: {  	s19 =	sshrl.u32 s23, $0x3;
	s23 =	simm.s32 $0x80;
	s4 =	sor.u32 s5, s4  }
0xd: {  	s5 =	sadd.s32 $0x61E00, s1;
	s9 =	ssub.s32 s9, s10;
	[dreg:$0x3] =	wrdreg s7  }
0xe: {  	s0 =	sor.u32 s11, s0;
	[dreg:$0x4] =	wrdreg s20;
	s20 =	simm.s32 $0x30  }
0xf: {  	s4 =	sshrl.u32 s4, $0x3;
	s22 =	sshrl.u32 s0, $0x3;
	s24 =	sadd.s32 $0x80000, s0  }
0x10: {  	s0 =	sadd.s32 $0x100000, s0;
	s14 =	smax.u32 s9, $0x1;
	s6 =	sadd.s32 s4, s1  }
0x11: {  	s4 =	sadd.s32 $0x1E00, s1;
	s1 =	sadd.s32 $0xA0000, s1;
	s0 =	sshrl.u32 s0, $0x3  }
0x12: {  	s21 =	sadd.s32 $0x94000, s6;
	s7 =	sadd.s32 s1, s22;
	s25 =	sadd.s32 $0x96000, s6  }
0x13: {  	s12 =	sadd.s32 $0x98000, s6;
	s13 =	sadd.s32 s1, s0;
	[dreg:$0x5] =	wrdreg s21  }
0x14: {  	s22 =	simm.s32 $0x1;
	s0 =	simm.s32 $0xF80;
	[dreg:$0x6] =	wrdreg s7  }
0x15: {  	s6 =	simm.s32 $0x1F80;
	[dreg:$0x7] =	wrdreg s25;
	s7 =	sshrl.u32 s24, $0x3  }
0x16: {  	s21 =	simm.s32 $0xA000;
	s24 =	simm.s32 $0xB800;
	s25 =	simm.s32 $0xD000  }
0x17: {  	s11 =	sadd.s32 s1, s7;
	s1 =	simm.s32 $0x4;
	s7 =	simm.s32 $0x0  }
.LBB2_1:
0x18: {  	s8 =	rddreg [dreg:$0x3]  }
0x19: {  	[tilespmem:s15], [sflag:$0x5] =	stream.linear.gather [hbm4b:s8+s3], $0x1000, $0x38;
	[tilespmem:$0x18000] =	vst v63  }
0x1a: {  	_ =	swait.ge [sflag:s16], $0x1000  }
0x1b: {  	[sflag:s16] =	ssyncset.done $0x0  }
0x1c: {  	s9 =	simm.s32 $0x2000;
	s10 =	rddreg [dreg:$0x4];
	[sflag:s16] =	ssyncadd.s32 $0xFFFFF000  }
0x1d: {  	[tilespmem:s9], [sflag:$0x5] =	stream.linear.gather [hbm4b:s10+s3], $0x8000, $0x38;
	[tilespmem:$0x18000] =	vst v63  }
0x1e: {  	_ =	swait.ge [sflag:s16], $0x8000  }
0x1f: {  	[sflag:s16] =	ssyncset.done $0x0  }
0x20: {  	s9 =	rddreg [dreg:$0x5];
	[sflag:s16] =	ssyncadd.s32 $0xFFFF8000  }
0x21: {  	[tilespmem:s3], [sflag:$0x5] =	stream.linear.gather [hbm4b:s9+s3], $0x1000, $0x38;
	[tilespmem:$0x18000] =	vst v63  }
0x22: {  	_ =	swait.ge [sflag:s16], $0x1000  }
0x23: {  	[sflag:s16] =	ssyncset.done $0x0  }
0x24: {  	[sflag:s16] =	ssyncadd.s32 $0xFFFFF000  }
0x25: {  	[spmem:s19], [sflag:s18] =	dma.local [hbm:s5], $0x1000  }
0x26: {  	_ =	swait.ge [sflag:s16], $0x1000  }
0x27: {  	[sflag:s16] =	ssyncset.done $0x0  }
0x28: {  	[sflag:s16] =	ssyncadd.s32 $0xFFFFF000  }
0x29: {  	[bflag:$0x0] =	sbarrier.arrive $0xFFFF  }
0x2a: {  	[tilespmem:s21], [sflag:$0x1] =	stream.indirect.gather [hbm4b:s4+s20], $0x80, s3, s20, $0xb8;
	[tilespmem:$0x18000] =	vst v63  }
0x2b: {  	_ =	swait.ge [sflag:s22], $0x1800  }
0x2c: {  	[sflag:s22] =	ssyncset.done $0x0  }
0x2d: {  	[sflag:s22] =	ssyncadd.s32 $0xFFFFE800  }
0x2e: {  	[tilespmem:s24], [sflag:$0x2] =	stream.indirect.gather [hbm4b:s4+s20], $0x80, s23, s20, $0xb8;
	[tilespmem:$0x18000] =	vst v63  }
0x2f: {  	_ = 	snop  }
0x30: {  	[spmem:s2] =	stream.indirect.scatter.add.f32 [tilespmem:s25], [sflag:$0x3], $0x80, s15, s20, $0xb8;
	[tilespmem:$0x18000] =	vst v63  }
0x31: {  	_ =	swait.ge [sflag:s26], $0x1800  }
0x32: {  	[sflag:s26] =	ssyncset.done $0x0  }
0x33: {  	[sflag:s26] =	ssyncadd.s32 $0xFFFFE800  }
0x34: {  	[tilespmem:s21], [sflag:$0x1] =	stream.indirect.gather [hbm4b:s4+s20], $0x80, s28, s20, $0xb8;
	[tilespmem:$0x18000] =	vst v63  }
0x35: {  	_ = 	snop  }
0x36: {  	[spmem:s2] =	stream.indirect.scatter.add.f32 [tilespmem:s30], [sflag:$0x4], $0x80, s29, s20, $0xb8;
	[tilespmem:$0x18000] =	vst v63  }
0x37: {  	_ =	swait.ge [sflag:s22], $0x1800  }
0x38: {  	[sflag:s22] =	ssyncset.done $0x0  }
0x39: {  	s10 =	simm.s32 $0x180;
	[sflag:s22] =	ssyncadd.s32 $0xFFFFE800  }
0x3a: {  	[tilespmem:s24], [sflag:$0x2] =	stream.indirect.gather [hbm4b:s4+s20], $0x80, s10, s20, $0xb8;
	[tilespmem:$0x18000] =	vst v63  }
0x3b: {  	_ =	swait.ge [sflag:s31], $0x1800  }
0x3c: {  	[sflag:s31] =	ssyncset.done $0x0  }
0x3d: {  	s9 =	simm.s32 $0x1100;
	[sflag:s31] =	ssyncadd.s32 $0xFFFFE800  }
0x3e: {  	[spmem:s2] =	stream.indirect.scatter.add.f32 [tilespmem:s25], [sflag:$0x3], $0x80, s9, s20, $0xb8;
	[tilespmem:$0x18000] =	vst v63  }
0x3f: {  	_ =	swait.ge [sflag:s26], $0x1800  }
0x40: {  	[sflag:s26] =	ssyncset.done $0x0  }
0x41: {  	s10 =	simm.s32 $0x200;
	[sflag:s26] =	ssyncadd.s32 $0xFFFFE800  }
0x42: {  	[tilespmem:s21], [sflag:$0x1] =	stream.indirect.gather [hbm4b:s4+s20], $0x80, s10, s20, $0xb8;
	[tilespmem:$0x18000] =	vst v63  }
0x43: {  	_ =	swait.ge [sflag:s1], $0x1800  }
0x44: {  	[sflag:s1] =	ssyncset.done $0x0  }
0x45: {  	s8 =	simm.s32 $0xFFFFCC00;
	s9 =	simm.s32 $0x1180;
	[sflag:s1] =	ssyncadd.s32 $0xFFFFE800  }
.LBB2_2:
0x46: {  	[spmem:s2] =	stream.indirect.scatter.add.f32 [tilespmem:s30], [sflag:$0x4], $0x80, s9, s20, $0xb8;
	[tilespmem:$0x18000] =	vst v63  }
0x47: {  	s9 =	smov.u32 s8  }
0x48: {  	p0 =	sne.s32 s8, $0xFFFFFC00;
	s8 =	sadd.s32 $0x400, s8;
	_ =	swait.ge [sflag:s22], $0x1800  }
0x49: {  	s9 =	sshra.s32 s9, $0x2;
	[sflag:s22] =	ssyncset.done $0x0  }
0x4a: {  	s10 =	sadd.s32 $0xF80, s9;
	[sflag:s22] =	ssyncadd.s32 $0xFFFFE800  }
0x4b: {  	[tilespmem:s24], [sflag:$0x2] =	stream.indirect.gather [hbm4b:s4+s20], $0x80, s10, s20, $0xb8;
	[tilespmem:$0x18000] =	vst v63  }
0x4c: {  	_ =	swait.ge [sflag:s31], $0x1800  }
0x4d: {  	[sflag:s31] =	ssyncset.done $0x0  }
0x4e: {  	s10 =	sadd.s32 $0x1F00, s9;
	[sflag:s31] =	ssyncadd.s32 $0xFFFFE800  }
0x4f: {  	[spmem:s2] =	stream.indirect.scatter.add.f32 [tilespmem:s25], [sflag:$0x3], $0x80, s10, s20, $0xb8;
	[tilespmem:$0x18000] =	vst v63  }
0x50: {  	_ =	swait.ge [sflag:s26], $0x1800  }
0x51: {  	[sflag:s26] =	ssyncset.done $0x0  }
.Ltmp0:
0x52: {  	s10 =	sadd.s32 $0x1000, s9;
	[sflag:s26] =	ssyncadd.s32 $0xFFFFE800;
	(pc) =	sbr.rel @p0 .LBB2_2-.Ltmp0, $4  }
0x53: {  	[tilespmem:s21], [sflag:$0x1] =	stream.indirect.gather [hbm4b:s4+s20], $0x80, s10, s20, $0xb8;
	[tilespmem:$0x18000] =	vst v63  }
0x54: {  	_ =	swait.ge [sflag:s1], $0x1800  }
0x55: {  	[sflag:s1] =	ssyncset.done $0x0  }
0x56: {  	s9 =	sadd.s32 $0x1F80, s9;
	[sflag:s1] =	ssyncadd.s32 $0xFFFFE800  }
0x57: {  	[spmem:s2] =	stream.indirect.scatter.add.f32 [tilespmem:s30], [sflag:$0x4], $0x80, s9, s20, $0xb8;
	[tilespmem:$0x18000] =	vst v63  }
0x58: {  	_ =	swait.ge [sflag:s22], $0x1800  }
0x59: {  	[sflag:s22] =	ssyncset.done $0x0  }
0x5a: {  	[sflag:s22] =	ssyncadd.s32 $0xFFFFE800  }
0x5b: {  	[tilespmem:s24], [sflag:$0x2] =	stream.indirect.gather [hbm4b:s4+s20], $0x80, s0, s20, $0xb8;
	[tilespmem:$0x18000] =	vst v63  }
0x5c: {  	_ =	swait.ge [sflag:s31], $0x1800  }
0x5d: {  	[sflag:s31] =	ssyncset.done $0x0  }
0x5e: {  	[sflag:s31] =	ssyncadd.s32 $0xFFFFE800  }
0x5f: {  	[spmem:s2] =	stream.indirect.scatter.add.f32 [tilespmem:s25], [sflag:$0x3], $0x80, s17, s20, $0xb8;
	[tilespmem:$0x18000] =	vst v63  }
0x60: {  	_ =	swait.ge [sflag:s26], $0x1800  }
0x61: {  	[sflag:s26] =	ssyncset.done $0x0  }
0x62: {  	[sflag:s26] =	ssyncadd.s32 $0xFFFFE800  }
0x63: {  	_ =	swait.ge [sflag:s1], $0x1800  }
0x64: {  	[sflag:s1] =	ssyncset.done $0x0  }
0x65: {  	[sflag:s1] =	ssyncadd.s32 $0xFFFFE800  }
0x66: {  	[spmem:s2] =	stream.indirect.scatter.add.f32 [tilespmem:s30], [sflag:$0x4], $0x80, s6, s20, $0xb8;
	[tilespmem:$0x18000] =	vst v63  }
0x67: {  	_ =	swait.ge [sflag:s31], $0x1800  }
0x68: {  	[sflag:s31] =	ssyncset.done $0x0  }
0x69: {  	[sflag:s31] =	ssyncadd.s32 $0xFFFFE800  }
0x6a: {  	_ =	swait.ge [sflag:s1], $0x1800  }
0x6b: {  	[sflag:s1] =	ssyncset.done $0x0  }
0x6c: {  	[sflag:s1] =	ssyncadd.s32 $0xFFFFE800  }
0x6d: {  	[bflag:$0x0] =	sbarrier.arrive $0xFFFF  }
0x6e: {  	s8 =	rddreg [dreg:$0x6]  }
0x6f: {  	[hbm:s8], [sflag:s18] =	dma.local [spmem:s19], $0x1000  }
0x70: {  	_ =	swait.ge [sflag:s16], $0x1000  }
0x71: {  	[sflag:s16] =	ssyncset.done $0x0  }
0x72: {  	[sflag:s16] =	ssyncadd.s32 $0xFFFFF000  }
0x73: {  	[bflag:$0x0] =	sbarrier.arrive $0xFFFF  }
0x74: {  	s9 =	rddreg [dreg:$0x7]  }
0x75: {  	[tilespmem:s3], [sflag:$0x5] =	stream.linear.gather [hbm4b:s9+s3], $0x1000, $0x38;
	[tilespmem:$0x18000] =	vst v63  }
0x76: {  	_ =	swait.ge [sflag:s16], $0x1000  }
0x77: {  	[sflag:s16] =	ssyncset.done $0x0  }
0x78: {  	[sflag:s16] =	ssyncadd.s32 $0xFFFFF000  }
0x79: {  	[spmem:s19], [sflag:s18] =	dma.local [hbm:s5], $0x1000  }
0x7a: {  	_ =	swait.ge [sflag:s16], $0x1000  }
0x7b: {  	[sflag:s16] =	ssyncset.done $0x0  }
0x7c: {  	[sflag:s16] =	ssyncadd.s32 $0xFFFFF000  }
0x7d: {  	[bflag:$0x0] =	sbarrier.arrive $0xFFFF  }
0x7e: {  	[tilespmem:s21], [sflag:$0x1] =	stream.indirect.gather [hbm4b:s4+s20], $0x80, s3, s20, $0xb8;
	[tilespmem:$0x18000] =	vst v63  }
0x7f: {  	_ =	swait.ge [sflag:s22], $0x1800  }
0x80: {  	[sflag:s22] =	ssyncset.done $0x0  }
0x81: {  	[sflag:s22] =	ssyncadd.s32 $0xFFFFE800  }
0x82: {  	[tilespmem:s24], [sflag:$0x2] =	stream.indirect.gather [hbm4b:s4+s20], $0x80, s23, s20, $0xb8;
	[tilespmem:$0x18000] =	vst v63  }
0x83: {  	_ = 	snop  }
0x84: {  	[spmem:s2] =	stream.indirect.scatter.add.f32 [tilespmem:s25], [sflag:$0x3], $0x80, s15, s20, $0xb8;
	[tilespmem:$0x18000] =	vst v63  }
0x85: {  	_ =	swait.ge [sflag:s26], $0x1800  }
0x86: {  	[sflag:s26] =	ssyncset.done $0x0  }
0x87: {  	[sflag:s26] =	ssyncadd.s32 $0xFFFFE800  }
0x88: {  	[tilespmem:s21], [sflag:$0x1] =	stream.indirect.gather [hbm4b:s4+s20], $0x80, s28, s20, $0xb8;
	[tilespmem:$0x18000] =	vst v63  }
0x89: {  	_ = 	snop  }
0x8a: {  	[spmem:s2] =	stream.indirect.scatter.add.f32 [tilespmem:s30], [sflag:$0x4], $0x80, s29, s20, $0xb8;
	[tilespmem:$0x18000] =	vst v63  }
0x8b: {  	_ =	swait.ge [sflag:s22], $0x1800  }
0x8c: {  	[sflag:s22] =	ssyncset.done $0x0  }
0x8d: {  	s10 =	simm.s32 $0x180;
	[sflag:s22] =	ssyncadd.s32 $0xFFFFE800  }
0x8e: {  	[tilespmem:s24], [sflag:$0x2] =	stream.indirect.gather [hbm4b:s4+s20], $0x80, s10, s20, $0xb8;
	[tilespmem:$0x18000] =	vst v63  }
0x8f: {  	_ =	swait.ge [sflag:s31], $0x1800  }
0x90: {  	[sflag:s31] =	ssyncset.done $0x0  }
0x91: {  	s9 =	simm.s32 $0x1100;
	[sflag:s31] =	ssyncadd.s32 $0xFFFFE800  }
0x92: {  	[spmem:s2] =	stream.indirect.scatter.add.f32 [tilespmem:s25], [sflag:$0x3], $0x80, s9, s20, $0xb8;
	[tilespmem:$0x18000] =	vst v63  }
0x93: {  	_ =	swait.ge [sflag:s26], $0x1800  }
0x94: {  	[sflag:s26] =	ssyncset.done $0x0  }
0x95: {  	s10 =	simm.s32 $0x200;
	[sflag:s26] =	ssyncadd.s32 $0xFFFFE800  }
0x96: {  	[tilespmem:s21], [sflag:$0x1] =	stream.indirect.gather [hbm4b:s4+s20], $0x80, s10, s20, $0xb8;
	[tilespmem:$0x18000] =	vst v63  }
0x97: {  	_ =	swait.ge [sflag:s1], $0x1800  }
0x98: {  	[sflag:s1] =	ssyncset.done $0x0  }
0x99: {  	s8 =	simm.s32 $0xFFFFCC00;
	s9 =	simm.s32 $0x1180;
	[sflag:s1] =	ssyncadd.s32 $0xFFFFE800  }
.LBB2_4:
0x9a: {  	[spmem:s2] =	stream.indirect.scatter.add.f32 [tilespmem:s30], [sflag:$0x4], $0x80, s9, s20, $0xb8;
	[tilespmem:$0x18000] =	vst v63  }
0x9b: {  	s9 =	smov.u32 s8  }
0x9c: {  	p0 =	sne.s32 s8, $0xFFFFFC00;
	s8 =	sadd.s32 $0x400, s8;
	_ =	swait.ge [sflag:s22], $0x1800  }
0x9d: {  	s9 =	sshra.s32 s9, $0x2;
	[sflag:s22] =	ssyncset.done $0x0  }
0x9e: {  	s10 =	sadd.s32 $0xF80, s9;
	[sflag:s22] =	ssyncadd.s32 $0xFFFFE800  }
0x9f: {  	[tilespmem:s24], [sflag:$0x2] =	stream.indirect.gather [hbm4b:s4+s20], $0x80, s10, s20, $0xb8;
	[tilespmem:$0x18000] =	vst v63  }
0xa0: {  	_ =	swait.ge [sflag:s31], $0x1800  }
0xa1: {  	[sflag:s31] =	ssyncset.done $0x0  }
0xa2: {  	s10 =	sadd.s32 $0x1F00, s9;
	[sflag:s31] =	ssyncadd.s32 $0xFFFFE800  }
0xa3: {  	[spmem:s2] =	stream.indirect.scatter.add.f32 [tilespmem:s25], [sflag:$0x3], $0x80, s10, s20, $0xb8;
	[tilespmem:$0x18000] =	vst v63  }
0xa4: {  	_ =	swait.ge [sflag:s26], $0x1800  }
0xa5: {  	[sflag:s26] =	ssyncset.done $0x0  }
.Ltmp1:
0xa6: {  	s10 =	sadd.s32 $0x1000, s9;
	[sflag:s26] =	ssyncadd.s32 $0xFFFFE800;
	(pc) =	sbr.rel @p0 .LBB2_4-.Ltmp1, $4  }
0xa7: {  	[tilespmem:s21], [sflag:$0x1] =	stream.indirect.gather [hbm4b:s4+s20], $0x80, s10, s20, $0xb8;
	[tilespmem:$0x18000] =	vst v63  }
0xa8: {  	_ =	swait.ge [sflag:s1], $0x1800  }
0xa9: {  	[sflag:s1] =	ssyncset.done $0x0  }
0xaa: {  	s9 =	sadd.s32 $0x1F80, s9;
	[sflag:s1] =	ssyncadd.s32 $0xFFFFE800  }
0xab: {  	[spmem:s2] =	stream.indirect.scatter.add.f32 [tilespmem:s30], [sflag:$0x4], $0x80, s9, s20, $0xb8;
	[tilespmem:$0x18000] =	vst v63  }
0xac: {  	_ =	swait.ge [sflag:s22], $0x1800  }
0xad: {  	[sflag:s22] =	ssyncset.done $0x0  }
0xae: {  	[sflag:s22] =	ssyncadd.s32 $0xFFFFE800  }
0xaf: {  	[tilespmem:s24], [sflag:$0x2] =	stream.indirect.gather [hbm4b:s4+s20], $0x80, s0, s20, $0xb8;
	[tilespmem:$0x18000] =	vst v63  }
0xb0: {  	_ =	swait.ge [sflag:s31], $0x1800  }
0xb1: {  	[sflag:s31] =	ssyncset.done $0x0  }
0xb2: {  	[sflag:s31] =	ssyncadd.s32 $0xFFFFE800  }
0xb3: {  	[spmem:s2] =	stream.indirect.scatter.add.f32 [tilespmem:s25], [sflag:$0x3], $0x80, s17, s20, $0xb8;
	[tilespmem:$0x18000] =	vst v63  }
0xb4: {  	_ =	swait.ge [sflag:s26], $0x1800  }
0xb5: {  	[sflag:s26] =	ssyncset.done $0x0  }
0xb6: {  	[sflag:s26] =	ssyncadd.s32 $0xFFFFE800  }
0xb7: {  	_ =	swait.ge [sflag:s1], $0x1800  }
0xb8: {  	[sflag:s1] =	ssyncset.done $0x0  }
0xb9: {  	[sflag:s1] =	ssyncadd.s32 $0xFFFFE800  }
0xba: {  	[spmem:s2] =	stream.indirect.scatter.add.f32 [tilespmem:s30], [sflag:$0x4], $0x80, s6, s20, $0xb8;
	[tilespmem:$0x18000] =	vst v63  }
0xbb: {  	_ =	swait.ge [sflag:s31], $0x1800  }
0xbc: {  	[sflag:s31] =	ssyncset.done $0x0  }
0xbd: {  	[sflag:s31] =	ssyncadd.s32 $0xFFFFE800  }
0xbe: {  	_ =	swait.ge [sflag:s1], $0x1800  }
0xbf: {  	[sflag:s1] =	ssyncset.done $0x0  }
0xc0: {  	[sflag:s1] =	ssyncadd.s32 $0xFFFFE800  }
0xc1: {  	[bflag:$0x0] =	sbarrier.arrive $0xFFFF  }
0xc2: {  	[hbm:s11], [sflag:s18] =	dma.local [spmem:s19], $0x1000  }
0xc3: {  	_ =	swait.ge [sflag:s16], $0x1000  }
0xc4: {  	[sflag:s16] =	ssyncset.done $0x0  }
0xc5: {  	[sflag:s16] =	ssyncadd.s32 $0xFFFFF000  }
0xc6: {  	[bflag:$0x0] =	sbarrier.arrive $0xFFFF  }
0xc7: {  	[tilespmem:s3], [sflag:$0x5] =	stream.linear.gather [hbm4b:s12+s3], $0x1000, $0x38;
	[tilespmem:$0x18000] =	vst v63  }
0xc8: {  	_ =	swait.ge [sflag:s16], $0x1000  }
0xc9: {  	[sflag:s16] =	ssyncset.done $0x0  }
0xca: {  	[sflag:s16] =	ssyncadd.s32 $0xFFFFF000  }
0xcb: {  	[spmem:s19], [sflag:s18] =	dma.local [hbm:s5], $0x1000  }
0xcc: {  	_ =	swait.ge [sflag:s16], $0x1000  }
0xcd: {  	[sflag:s16] =	ssyncset.done $0x0  }
0xce: {  	[sflag:s16] =	ssyncadd.s32 $0xFFFFF000  }
0xcf: {  	[bflag:$0x0] =	sbarrier.arrive $0xFFFF  }
0xd0: {  	[tilespmem:s21], [sflag:$0x1] =	stream.indirect.gather [hbm4b:s4+s20], $0x80, s3, s20, $0xb8;
	[tilespmem:$0x18000] =	vst v63  }
0xd1: {  	_ =	swait.ge [sflag:s22], $0x1800  }
0xd2: {  	[sflag:s22] =	ssyncset.done $0x0  }
0xd3: {  	[sflag:s22] =	ssyncadd.s32 $0xFFFFE800  }
0xd4: {  	[tilespmem:s24], [sflag:$0x2] =	stream.indirect.gather [hbm4b:s4+s20], $0x80, s23, s20, $0xb8;
	[tilespmem:$0x18000] =	vst v63  }
0xd5: {  	_ = 	snop  }
0xd6: {  	[spmem:s2] =	stream.indirect.scatter.add.f32 [tilespmem:s25], [sflag:$0x3], $0x80, s15, s20, $0xb8;
	[tilespmem:$0x18000] =	vst v63  }
0xd7: {  	_ =	swait.ge [sflag:s26], $0x1800  }
0xd8: {  	[sflag:s26] =	ssyncset.done $0x0  }
0xd9: {  	[sflag:s26] =	ssyncadd.s32 $0xFFFFE800  }
0xda: {  	[tilespmem:s21], [sflag:$0x1] =	stream.indirect.gather [hbm4b:s4+s20], $0x80, s28, s20, $0xb8;
	[tilespmem:$0x18000] =	vst v63  }
0xdb: {  	_ = 	snop  }
0xdc: {  	[spmem:s2] =	stream.indirect.scatter.add.f32 [tilespmem:s30], [sflag:$0x4], $0x80, s29, s20, $0xb8;
	[tilespmem:$0x18000] =	vst v63  }
0xdd: {  	_ =	swait.ge [sflag:s22], $0x1800  }
0xde: {  	[sflag:s22] =	ssyncset.done $0x0  }
0xdf: {  	s8 =	simm.s32 $0x180;
	[sflag:s22] =	ssyncadd.s32 $0xFFFFE800  }
0xe0: {  	[tilespmem:s24], [sflag:$0x2] =	stream.indirect.gather [hbm4b:s4+s20], $0x80, s8, s20, $0xb8;
	[tilespmem:$0x18000] =	vst v63  }
0xe1: {  	_ =	swait.ge [sflag:s31], $0x1800  }
0xe2: {  	[sflag:s31] =	ssyncset.done $0x0  }
0xe3: {  	s9 =	simm.s32 $0x1100;
	[sflag:s31] =	ssyncadd.s32 $0xFFFFE800  }
0xe4: {  	[spmem:s2] =	stream.indirect.scatter.add.f32 [tilespmem:s25], [sflag:$0x3], $0x80, s9, s20, $0xb8;
	[tilespmem:$0x18000] =	vst v63  }
0xe5: {  	_ =	swait.ge [sflag:s26], $0x1800  }
0xe6: {  	[sflag:s26] =	ssyncset.done $0x0  }
0xe7: {  	s10 =	simm.s32 $0x200;
	[sflag:s26] =	ssyncadd.s32 $0xFFFFE800  }
0xe8: {  	[tilespmem:s21], [sflag:$0x1] =	stream.indirect.gather [hbm4b:s4+s20], $0x80, s10, s20, $0xb8;
	[tilespmem:$0x18000] =	vst v63  }
0xe9: {  	_ =	swait.ge [sflag:s1], $0x1800  }
0xea: {  	[sflag:s1] =	ssyncset.done $0x0  }
0xeb: {  	s8 =	simm.s32 $0xFFFFCC00;
	s9 =	simm.s32 $0x1180;
	[sflag:s1] =	ssyncadd.s32 $0xFFFFE800  }
.LBB2_6:
0xec: {  	[spmem:s2] =	stream.indirect.scatter.add.f32 [tilespmem:s30], [sflag:$0x4], $0x80, s9, s20, $0xb8;
	[tilespmem:$0x18000] =	vst v63  }
0xed: {  	s9 =	smov.u32 s8  }
0xee: {  	p0 =	sne.s32 s8, $0xFFFFFC00;
	s8 =	sadd.s32 $0x400, s8;
	_ =	swait.ge [sflag:s22], $0x1800  }
0xef: {  	s9 =	sshra.s32 s9, $0x2;
	[sflag:s22] =	ssyncset.done $0x0  }
0xf0: {  	s10 =	sadd.s32 $0xF80, s9;
	[sflag:s22] =	ssyncadd.s32 $0xFFFFE800  }
0xf1: {  	[tilespmem:s24], [sflag:$0x2] =	stream.indirect.gather [hbm4b:s4+s20], $0x80, s10, s20, $0xb8;
	[tilespmem:$0x18000] =	vst v63  }
0xf2: {  	_ =	swait.ge [sflag:s31], $0x1800  }
0xf3: {  	[sflag:s31] =	ssyncset.done $0x0  }
0xf4: {  	s10 =	sadd.s32 $0x1F00, s9;
	[sflag:s31] =	ssyncadd.s32 $0xFFFFE800  }
0xf5: {  	[spmem:s2] =	stream.indirect.scatter.add.f32 [tilespmem:s25], [sflag:$0x3], $0x80, s10, s20, $0xb8;
	[tilespmem:$0x18000] =	vst v63  }
0xf6: {  	_ =	swait.ge [sflag:s26], $0x1800  }
0xf7: {  	[sflag:s26] =	ssyncset.done $0x0  }
.Ltmp2:
0xf8: {  	s10 =	sadd.s32 $0x1000, s9;
	[sflag:s26] =	ssyncadd.s32 $0xFFFFE800;
	(pc) =	sbr.rel @p0 .LBB2_6-.Ltmp2, $4  }
0xf9: {  	[tilespmem:s21], [sflag:$0x1] =	stream.indirect.gather [hbm4b:s4+s20], $0x80, s10, s20, $0xb8;
	[tilespmem:$0x18000] =	vst v63  }
0xfa: {  	_ =	swait.ge [sflag:s1], $0x1800  }
0xfb: {  	[sflag:s1] =	ssyncset.done $0x0  }
0xfc: {  	s9 =	sadd.s32 $0x1F80, s9;
	[sflag:s1] =	ssyncadd.s32 $0xFFFFE800  }
0xfd: {  	[spmem:s2] =	stream.indirect.scatter.add.f32 [tilespmem:s30], [sflag:$0x4], $0x80, s9, s20, $0xb8;
	[tilespmem:$0x18000] =	vst v63  }
0xfe: {  	_ =	swait.ge [sflag:s22], $0x1800  }
0xff: {  	[sflag:s22] =	ssyncset.done $0x0  }
0x100: {  	[sflag:s22] =	ssyncadd.s32 $0xFFFFE800  }
0x101: {  	[tilespmem:s24], [sflag:$0x2] =	stream.indirect.gather [hbm4b:s4+s20], $0x80, s0, s20, $0xb8;
	[tilespmem:$0x18000] =	vst v63  }
0x102: {  	_ =	swait.ge [sflag:s31], $0x1800  }
0x103: {  	[sflag:s31] =	ssyncset.done $0x0  }
0x104: {  	[sflag:s31] =	ssyncadd.s32 $0xFFFFE800  }
0x105: {  	[spmem:s2] =	stream.indirect.scatter.add.f32 [tilespmem:s25], [sflag:$0x3], $0x80, s17, s20, $0xb8;
	[tilespmem:$0x18000] =	vst v63  }
0x106: {  	_ =	swait.ge [sflag:s26], $0x1800  }
0x107: {  	[sflag:s26] =	ssyncset.done $0x0  }
0x108: {  	[sflag:s26] =	ssyncadd.s32 $0xFFFFE800  }
0x109: {  	_ =	swait.ge [sflag:s1], $0x1800  }
0x10a: {  	[sflag:s1] =	ssyncset.done $0x0  }
0x10b: {  	[sflag:s1] =	ssyncadd.s32 $0xFFFFE800  }
0x10c: {  	[spmem:s2] =	stream.indirect.scatter.add.f32 [tilespmem:s30], [sflag:$0x4], $0x80, s6, s20, $0xb8;
	[tilespmem:$0x18000] =	vst v63  }
0x10d: {  	_ =	swait.ge [sflag:s31], $0x1800  }
0x10e: {  	[sflag:s31] =	ssyncset.done $0x0  }
0x10f: {  	[sflag:s31] =	ssyncadd.s32 $0xFFFFE800  }
0x110: {  	_ =	swait.ge [sflag:s1], $0x1800  }
0x111: {  	[sflag:s1] =	ssyncset.done $0x0  }
0x112: {  	s7 =	sadd.s32 $0x1, s7;
	[sflag:s1] =	ssyncadd.s32 $0xFFFFE800  }
0x113: {  	p0 =	sne.s32 s7, s14;
	[bflag:$0x0] =	sbarrier.arrive $0xFFFF  }
0x114: {  	[hbm:s13], [sflag:s18] =	dma.local [spmem:s19], $0x1000  }
.Ltmp3:
0x115: {  	_ =	swait.ge [sflag:s16], $0x1000;
	(pc) =	sbr.rel @p0 .LBB2_1-.Ltmp3, $3  }
0x116: {  	[sflag:s16] =	ssyncset.done $0x0  }
0x117: {  	[sflag:s16] =	ssyncadd.s32 $0xFFFFF000  }
0x118: {  	[bflag:$0x0] =	sbarrier.arrive $0xFFFF;
	_ =	sdelay $0x1  }
0x119: {  	_ =	sfence.sel $0x180000  }
0x11a: {  	[bflag:$0x0] =	sbarrier.arrive $0xFFFF  }
0x11b: {  	_ =	strace $0x9000004A  }
0x11c: {  	s0 =	stileid.u32;
	[bflag:$0x2] =	sbarrier.arrive $0xFFFF  }
0x11d: {  	p0 =	sne.s32 s0, $0x0;
	s0 =	rddreg [dreg:$0x2]  }
0x11e: {  	s0 =	sadd.s32 @!p0 $0x100000, s0  }
0x11f: {  	[sflag:s0] =	ssyncadd.tile.s32 @!p0 $0x1;
	_ =	shalt  }
.Lfunc_end2:
_tile_overlayer_lowered:
.L_overlay_start_2:
0x120: {  	(tag) =	ssettag $0x2  }
0x121: {  	s0 =	rddreg [dreg:$0x0];
	s2 =	stileid.u32  }
0x122: {  	s1 =	rddreg [dreg:$0x1];
	p0 =	sne.s32 s2, $0x0  }
0x123: {  	s3 =	rddreg [dreg:$0x2];
	[bflag:$0x3] =	sbarrier.arrive $0xFFFF;
	s2 =	simm.s32 @!p0 $0x1C05  }
0x124: {  	[timem:s3], [sflag:s2] =	dma.local @!p0 [hbm:s0], s1  }
0x125: {  	s0 =	simm.s32 @!p0 $0x5  }
0x126: {  	_ =	swait.ge @!p0 [sflag:s0], s1  }
0x127: {  	s1 =	ssub.s32 @!p0 $0x0, s1;
	[sflag:s0] =	ssyncset.done @!p0 $0x0  }
0x128: {  	[sflag:s0] =	ssyncadd.s32 @!p0 s1  }
0x129: {  	[bflag:$0x3] =	sbarrier.arrive $0xFFFF  }
0x12a: {  	_ =	shalt  }

</sc_bundles>
